<compile_context>
chip_gen: v7x
topology: tpu7x:2x2x1
jax: 0.10.2.dev20260603
libtpu: 0.0.44.dev20260713+nightly
codegen_flags: <defaults>
</compile_context>

<pallas_src>
import functools

import jax
import jax.numpy as jnp
from jax import lax
from jax.experimental import pallas as pl
from jax.experimental.pallas import tpu as pltpu
from jax.experimental.pallas import tpu_sc as plsc

_NUM_BINS = 10
_ALPHA = 1.0 - 1e-06
_N_ROWS = 16384
_N_COLS = 1024
_N = _N_ROWS * _N_COLS
_NC = 2
_NS = 16
_NW = _NC * _NS
_PER_W = _N // _NW
_CHUNK = 16384
_NCHUNK = _PER_W // _CHUNK
_VECS = _CHUNK // 16
_LN2 = 0.6931471805599453


def _ln(x):
    ix = plsc.bitcast(x, jnp.int32)
    e = lax.shift_right_arithmetic(ix - 0x3F3504F3, 23)
    m = plsc.bitcast(ix - lax.shift_left(e, 23), jnp.float32)
    ef = lax.convert_element_type(e, jnp.float32)
    s = (m - 1.0) / (m + 1.0)
    z = s * s
    poly = 1.0 + z * (1.0 / 3.0 + z * (0.2 + z * (1.0 / 7.0)))
    return ef * _LN2 + (s + s) * poly


def _sc_body(pred_hbm, targ_hbm, ema_hbm, loss_out, cnt_out,
             pbuf, tbuf, lossb, cntb, wbuf,
             semp0, semp1, semt0, semt1):
    wid = lax.axis_index("s") * _NC + lax.axis_index("c")
    base = wid * _PER_W

    zf = jnp.zeros((16,), jnp.float32)
    onef = jnp.ones((16,), jnp.float32)
    lane = lax.iota(jnp.int32, 16)
    for b in range(_NUM_BINS):
        lossb[pl.ds(b * 16, 16)] = zf
        cntb[pl.ds(b * 16, 16)] = zf

    pltpu.sync_copy(ema_hbm, wbuf)
    wbuf[...] = 1.0 / wbuf[...] + 0.001

    pb = [pbuf.at[pl.ds(0, _CHUNK)], pbuf.at[pl.ds(_CHUNK, _CHUNK)]]
    tb = [tbuf.at[pl.ds(0, _CHUNK)], tbuf.at[pl.ds(_CHUNK, _CHUNK)]]
    semp = [semp0, semp1]
    semt = [semt0, semt1]

    def compute_chunk(pref, tref):
        def body(i, carry):
            off = lax.shift_left(i, 4)
            p = pref[pl.ds(off, 16)]
            t = tref[pl.ds(off, 16)]
            q = 1.0 - p
            lp = jnp.where(p > 0.0, _ln(p), -100.0)
            lq = jnp.where(q > 0.0, _ln(q), -100.0)
            raw = t * (lq - lp) - lq
            gm = jnp.abs(p - t)
            idx = lax.convert_element_type(gm * 10.0, jnp.int32)
            idx = jnp.minimum(idx, _NUM_BINS - 1)
            sidx = lax.shift_left(idx, 4) + lane
            plsc.addupdate_scatter(lossb, [sidx], raw)
            plsc.addupdate_scatter(cntb, [sidx], onef)
            return carry
        lax.fori_loop(0, _VECS, body, 0, unroll=4)

    npairs = _NCHUNK // 2
    pltpu.async_copy(pred_hbm.at[pl.ds(base, _CHUNK)], pb[0], semp[0])
    pltpu.async_copy(targ_hbm.at[pl.ds(base, _CHUNK)], tb[0], semt[0])

    def pair_body(j, carry):
        off1 = base + (2 * j + 1) * _CHUNK
        h1p = pltpu.async_copy(pred_hbm.at[pl.ds(off1, _CHUNK)], pb[1], semp[1])
        h1t = pltpu.async_copy(targ_hbm.at[pl.ds(off1, _CHUNK)], tb[1], semt[1])
        pltpu.make_async_copy(
            pred_hbm.at[pl.ds(base, _CHUNK)], pb[0], semp[0]).wait()
        pltpu.make_async_copy(
            targ_hbm.at[pl.ds(base, _CHUNK)], tb[0], semt[0]).wait()
        compute_chunk(pb[0], tb[0])

        @pl.when(j < npairs - 1)
        def _():
            off0 = base + (2 * j + 2) * _CHUNK
            pltpu.async_copy(pred_hbm.at[pl.ds(off0, _CHUNK)], pb[0], semp[0])
            pltpu.async_copy(targ_hbm.at[pl.ds(off0, _CHUNK)], tb[0], semt[0])

        h1p.wait()
        h1t.wait()
        compute_chunk(pb[1], tb[1])
        return carry

    lax.fori_loop(0, npairs, pair_body, 0)

    acc = zf
    for b in range(_NUM_BINS):
        wb = plsc.load_gather(wbuf, [jnp.full((16,), b, jnp.int32)])
        acc = acc + wb * lossb[pl.ds(b * 16, 16)]
    wbuf[...] = acc
    pltpu.sync_copy(wbuf, loss_out.at[wid])
    pltpu.sync_copy(cntb, cnt_out.at[wid])


@jax.jit
def _sc_launch(pred_flat, targ_flat, ema16):
    kfn = pl.kernel(
        _sc_body,
        out_type=(
            jax.ShapeDtypeStruct((_NW, 16), jnp.float32),
            jax.ShapeDtypeStruct((_NW, _NUM_BINS * 16), jnp.float32),
        ),
        mesh=plsc.VectorSubcoreMesh(core_axis_name="c", subcore_axis_name="s"),
        compiler_params=pltpu.CompilerParams(needs_layout_passes=False),
        scratch_types=[
            pltpu.VMEM((2 * _CHUNK,), jnp.float32),
            pltpu.VMEM((2 * _CHUNK,), jnp.float32),
            pltpu.VMEM((_NUM_BINS * 16,), jnp.float32),
            pltpu.VMEM((_NUM_BINS * 16,), jnp.float32),
            pltpu.VMEM((16,), jnp.float32),
            pltpu.SemaphoreType.DMA,
            pltpu.SemaphoreType.DMA,
            pltpu.SemaphoreType.DMA,
            pltpu.SemaphoreType.DMA,
        ],
    )
    return kfn(pred_flat, targ_flat, ema16)


def kernel(pred_porb, target_porb, GD_stat_ema):
    pred_flat = pred_porb.reshape(-1)
    targ_flat = target_porb.reshape(-1)
    ema16 = jnp.concatenate(
        [GD_stat_ema, jnp.ones((16 - _NUM_BINS,), jnp.float32)])
    loss_part, cnt_part = _sc_launch(pred_flat, targ_flat, ema16)
    loss_final = jnp.sum(loss_part) / jnp.float32(_N)
    counts = cnt_part.reshape(_NW, _NUM_BINS, 16).sum(axis=(0, 2))
    hist = counts / (jnp.sum(counts) + 1e-10) * _NUM_BINS
    ema = GD_stat_ema * _ALPHA + (1.0 - _ALPHA) * hist
    ema = ema / (jnp.sum(ema) + 1e-10) * _NUM_BINS
    return loss_final, ema

# --- scband reference (transcript-rebuilt; emitter-appended) ---
"""Pipeline reference for scband-bceghmloss-17428977287319 (READ-ONLY COPY).

The authoritative reference and input builder live on the scoring server;
editing this copy changes nothing except your own understanding.
"""

import jax, jax.numpy as jnp
import numpy as np

NUM_BINS = 10
ALPHA = 1.0 - 1e-06
LABEL_SMOOTHING = 0.0


def setup_inputs(seed: int = 0) -> dict:
    key = jax.random.key(seed)
    k1, k2 = jax.random.split(key)
    pred_porb = jax.random.uniform(k1, (16384, 1024), dtype=jnp.float32)
    target_porb = jax.random.uniform(k2, (16384, 1024), dtype=jnp.float32)
    GD_stat_ema = jnp.ones((NUM_BINS,), dtype=jnp.float32)
    return {"pred_porb": pred_porb, "target_porb": target_porb, "GD_stat_ema": GD_stat_ema}


def _bce_none(p, t):
    # torch.nn.BCELoss(reduction='none') with log clamped at -100
    log_p = jnp.maximum(jnp.log(p), -100.0)
    log_1mp = jnp.maximum(jnp.log(1.0 - p), -100.0)
    return -(t * log_p + (1.0 - t) * log_1mp)


def reference(pred_porb, target_porb, GD_stat_ema):
    # mask is None -> ones_like(pred); valid=False -> EMA buffer update path runs
    t = jnp.clip(target_porb, LABEL_SMOOTHING, 1.0 - LABEL_SMOOTHING)
    raw_loss = _bce_none(pred_porb, t)
    gradient_magnitudes = jnp.abs(pred_porb - t)
    gm_index = jnp.clip(jnp.floor(gradient_magnitudes * NUM_BINS).astype(jnp.int32), 0, 9)
    weights = 1.0 / jnp.take(GD_stat_ema, gm_index) + 0.001
    loss_weighted = raw_loss * weights
    mask_weights = jnp.ones_like(pred_porb)
    loss_weighted = loss_weighted * mask_weights
    loss_final = jnp.sum(loss_weighted) / jnp.sum(mask_weights)
    # EMA buffer update (side effect in torch; returned here explicitly)
    hist = jnp.bincount(gm_index.flatten(), weights=mask_weights.flatten(), length=NUM_BINS)
    hist = hist / (jnp.sum(hist) + 1e-10) * NUM_BINS
    ema = GD_stat_ema * ALPHA + (1.0 - ALPHA) * hist
    ema = ema / (jnp.sum(ema) + 1e-10) * NUM_BINS
    return loss_final, ema

if __name__ == "__main__":
    import jax
    _d = setup_inputs()
    print(jax.jit(kernel)(*tuple(_d.values())))

</pallas_src>

<mosaic_0001>
#map = affine_map<(d0, d1) -> (0)>
#map1 = affine_map<(d0, d1) -> (0, 0)>
module attributes {stable_mosaic.version = 14 : i64} {
  func.func @_sc_body(%arg0: i32, %arg1: i32, %arg2: memref<16777216xf32, #tpu.memory_space<hbm>>, %arg3: memref<16777216xf32, #tpu.memory_space<hbm>>, %arg4: memref<16xf32, #tpu.memory_space<hbm>>, %arg5: memref<32x16xf32, #tpu.memory_space<hbm>>, %arg6: memref<32x160xf32, #tpu.memory_space<hbm>>, %arg7: memref<32768xf32, #tpu.memory_space<vmem>>, %arg8: memref<32768xf32, #tpu.memory_space<vmem>>, %arg9: memref<160xf32, #tpu.memory_space<vmem>>, %arg10: memref<160xf32, #tpu.memory_space<vmem>>, %arg11: memref<16xf32, #tpu.memory_space<vmem>>, %arg12: memref<!tpu.dma_semaphore, #tpu.memory_space<semaphore_mem>>, %arg13: memref<!tpu.dma_semaphore, #tpu.memory_space<semaphore_mem>>, %arg14: memref<!tpu.dma_semaphore, #tpu.memory_space<semaphore_mem>>, %arg15: memref<!tpu.dma_semaphore, #tpu.memory_space<semaphore_mem>>) attributes {dimension_semantics = [#tpu.dimension_semantics<core_parallel>, #tpu.dimension_semantics<subcore_parallel>], iteration_bounds = array<i64: 2, 16>, scalar_prefetch = 0 : i64, scratch_operands = 9 : i64, tpu.core_type = #tpu.core_type<sc_vector_subcore>, window_params = [{transform_indices = #map}, {transform_indices = #map}, {transform_indices = #map}, {transform_indices = #map1}, {transform_indices = #map1}]} {
    %mul3A = arith.constant 2 : i32
    %mul3A_0 = arith.muli %arg1, %mul3A : i32
    %add3A = arith.addi %mul3A_0, %arg0 : i32
    %mul3A_1 = arith.constant 524288 : i32
    %mul3A_2 = arith.muli %add3A, %mul3A_1 : i32
    %broadcast_in_dim3A = arith.constant 0.000000e+00 : f32
    %broadcast_in_dim3A_3 = vector.broadcast %broadcast_in_dim3A : f32 to vector<16xf32>
    %broadcast_in_dim3A_4 = arith.constant 1.000000e+00 : f32
    %broadcast_in_dim3A_5 = vector.broadcast %broadcast_in_dim3A_4 : f32 to vector<16xf32>
    %iota3A = tpu.iota {dimensions = array<i32: 0>} : vector<16xi32>
    %swap3A = arith.constant 0 : index
    %swap3A_6 = tpu.vector_load %arg9[%swap3A] {strides = array<i32>} : memref<160xf32, #tpu.memory_space<vmem>>, vector<16xf32>,
    tpu.vector_store %arg9[%swap3A], %broadcast_in_dim3A_3 {strides = array<i32>} : memref<160xf32, #tpu.memory_space<vmem>>, vector<16xf32>,
    %swap3A_7 = arith.constant 0 : index
    %swap3A_8 = tpu.vector_load %arg10[%swap3A_7] {strides = array<i32>} : memref<160xf32, #tpu.memory_space<vmem>>, vector<16xf32>,
    tpu.vector_store %arg10[%swap3A_7], %broadcast_in_dim3A_3 {strides = array<i32>} : memref<160xf32, #tpu.memory_space<vmem>>, vector<16xf32>,
    %swap3A_9 = arith.constant 16 : index
    %swap3A_10 = tpu.vector_load %arg9[%swap3A_9] {strides = array<i32>} : memref<160xf32, #tpu.memory_space<vmem>>, vector<16xf32>,
    tpu.vector_store %arg9[%swap3A_9], %broadcast_in_dim3A_3 {strides = array<i32>} : memref<160xf32, #tpu.memory_space<vmem>>, vector<16xf32>,
    %swap3A_11 = arith.constant 16 : index
    %swap3A_12 = tpu.vector_load %arg10[%swap3A_11] {strides = array<i32>} : memref<160xf32, #tpu.memory_space<vmem>>, vector<16xf32>,
    tpu.vector_store %arg10[%swap3A_11], %broadcast_in_dim3A_3 {strides = array<i32>} : memref<160xf32, #tpu.memory_space<vmem>>, vector<16xf32>,
    %swap3A_13 = arith.constant 32 : index
    %swap3A_14 = tpu.vector_load %arg9[%swap3A_13] {strides = array<i32>} : memref<160xf32, #tpu.memory_space<vmem>>, vector<16xf32>,
    tpu.vector_store %arg9[%swap3A_13], %broadcast_in_dim3A_3 {strides = array<i32>} : memref<160xf32, #tpu.memory_space<vmem>>, vector<16xf32>,
    %swap3A_15 = arith.constant 32 : index
    %swap3A_16 = tpu.vector_load %arg10[%swap3A_15] {strides = array<i32>} : memref<160xf32, #tpu.memory_space<vmem>>, vector<16xf32>,
    tpu.vector_store %arg10[%swap3A_15], %broadcast_in_dim3A_3 {strides = array<i32>} : memref<160xf32, #tpu.memory_space<vmem>>, vector<16xf32>,
    %swap3A_17 = arith.constant 48 : index
    %swap3A_18 = tpu.vector_load %arg9[%swap3A_17] {strides = array<i32>} : memref<160xf32, #tpu.memory_space<vmem>>, vector<16xf32>,
    tpu.vector_store %arg9[%swap3A_17], %broadcast_in_dim3A_3 {strides = array<i32>} : memref<160xf32, #tpu.memory_space<vmem>>, vector<16xf32>,
    %swap3A_19 = arith.constant 48 : index
    %swap3A_20 = tpu.vector_load %arg10[%swap3A_19] {strides = array<i32>} : memref<160xf32, #tpu.memory_space<vmem>>, vector<16xf32>,
    tpu.vector_store %arg10[%swap3A_19], %broadcast_in_dim3A_3 {strides = array<i32>} : memref<160xf32, #tpu.memory_space<vmem>>, vector<16xf32>,
    %swap3A_21 = arith.constant 64 : index
    %swap3A_22 = tpu.vector_load %arg9[%swap3A_21] {strides = array<i32>} : memref<160xf32, #tpu.memory_space<vmem>>, vector<16xf32>,
    tpu.vector_store %arg9[%swap3A_21], %broadcast_in_dim3A_3 {strides = array<i32>} : memref<160xf32, #tpu.memory_space<vmem>>, vector<16xf32>,
    %swap3A_23 = arith.constant 64 : index
    %swap3A_24 = tpu.vector_load %arg10[%swap3A_23] {strides = array<i32>} : memref<160xf32, #tpu.memory_space<vmem>>, vector<16xf32>,
    tpu.vector_store %arg10[%swap3A_23], %broadcast_in_dim3A_3 {strides = array<i32>} : memref<160xf32, #tpu.memory_space<vmem>>, vector<16xf32>,
    %swap3A_25 = arith.constant 80 : index
    %swap3A_26 = tpu.vector_load %arg9[%swap3A_25] {strides = array<i32>} : memref<160xf32, #tpu.memory_space<vmem>>, vector<16xf32>,
    tpu.vector_store %arg9[%swap3A_25], %broadcast_in_dim3A_3 {strides = array<i32>} : memref<160xf32, #tpu.memory_space<vmem>>, vector<16xf32>,
    %swap3A_27 = arith.constant 80 : index
    %swap3A_28 = tpu.vector_load %arg10[%swap3A_27] {strides = array<i32>} : memref<160xf32, #tpu.memory_space<vmem>>, vector<16xf32>,
    tpu.vector_store %arg10[%swap3A_27], %broadcast_in_dim3A_3 {strides = array<i32>} : memref<160xf32, #tpu.memory_space<vmem>>, vector<16xf32>,
    %swap3A_29 = arith.constant 96 : index
    %swap3A_30 = tpu.vector_load %arg9[%swap3A_29] {strides = array<i32>} : memref<160xf32, #tpu.memory_space<vmem>>, vector<16xf32>,
    tpu.vector_store %arg9[%swap3A_29], %broadcast_in_dim3A_3 {strides = array<i32>} : memref<160xf32, #tpu.memory_space<vmem>>, vector<16xf32>,
    %swap3A_31 = arith.constant 96 : index
    %swap3A_32 = tpu.vector_load %arg10[%swap3A_31] {strides = array<i32>} : memref<160xf32, #tpu.memory_space<vmem>>, vector<16xf32>,
    tpu.vector_store %arg10[%swap3A_31], %broadcast_in_dim3A_3 {strides = array<i32>} : memref<160xf32, #tpu.memory_space<vmem>>, vector<16xf32>,
    %swap3A_33 = arith.constant 112 : index
    %swap3A_34 = tpu.vector_load %arg9[%swap3A_33] {strides = array<i32>} : memref<160xf32, #tpu.memory_space<vmem>>, vector<16xf32>,
    tpu.vector_store %arg9[%swap3A_33], %broadcast_in_dim3A_3 {strides = array<i32>} : memref<160xf32, #tpu.memory_space<vmem>>, vector<16xf32>,
    %swap3A_35 = arith.constant 112 : index
    %swap3A_36 = tpu.vector_load %arg10[%swap3A_35] {strides = array<i32>} : memref<160xf32, #tpu.memory_space<vmem>>, vector<16xf32>,
    tpu.vector_store %arg10[%swap3A_35], %broadcast_in_dim3A_3 {strides = array<i32>} : memref<160xf32, #tpu.memory_space<vmem>>, vector<16xf32>,
    %swap3A_37 = arith.constant 128 : index
    %swap3A_38 = tpu.vector_load %arg9[%swap3A_37] {strides = array<i32>} : memref<160xf32, #tpu.memory_space<vmem>>, vector<16xf32>,
    tpu.vector_store %arg9[%swap3A_37], %broadcast_in_dim3A_3 {strides = array<i32>} : memref<160xf32, #tpu.memory_space<vmem>>, vector<16xf32>,
    %swap3A_39 = arith.constant 128 : index
    %swap3A_40 = tpu.vector_load %arg10[%swap3A_39] {strides = array<i32>} : memref<160xf32, #tpu.memory_space<vmem>>, vector<16xf32>,
    tpu.vector_store %arg10[%swap3A_39], %broadcast_in_dim3A_3 {strides = array<i32>} : memref<160xf32, #tpu.memory_space<vmem>>, vector<16xf32>,
    %swap3A_41 = arith.constant 144 : index
    %swap3A_42 = tpu.vector_load %arg9[%swap3A_41] {strides = array<i32>} : memref<160xf32, #tpu.memory_space<vmem>>, vector<16xf32>,
    tpu.vector_store %arg9[%swap3A_41], %broadcast_in_dim3A_3 {strides = array<i32>} : memref<160xf32, #tpu.memory_space<vmem>>, vector<16xf32>,
    %swap3A_43 = arith.constant 144 : index
    %swap3A_44 = tpu.vector_load %arg10[%swap3A_43] {strides = array<i32>} : memref<160xf32, #tpu.memory_space<vmem>>, vector<16xf32>,
    tpu.vector_store %arg10[%swap3A_43], %broadcast_in_dim3A_3 {strides = array<i32>} : memref<160xf32, #tpu.memory_space<vmem>>, vector<16xf32>,
    "tpu.region"() ({
      %run_scoped3A = tpu.sem_alloc : memref<!tpu.dma_semaphore, #tpu.memory_space<semaphore_mem>>
      tpu.enqueue_dma source(%arg4 : memref<16xf32, #tpu.memory_space<hbm>>) target(%arg11 : memref<16xf32, #tpu.memory_space<vmem>>) target_semaphore(%run_scoped3A : memref<!tpu.dma_semaphore, #tpu.memory_space<semaphore_mem>>)
      tpu.wait_dma2 semaphore(%run_scoped3A : memref<!tpu.dma_semaphore, #tpu.memory_space<semaphore_mem>>) src(%arg4 : memref<16xf32, #tpu.memory_space<hbm>>) dst(%arg11 : memref<16xf32, #tpu.memory_space<vmem>>)
      tpu.yield
    }) : () -> ()
    %get3A = arith.constant 0 : index
    %get3A_45 = tpu.vector_load %arg11[%get3A] {strides = array<i32>} : memref<16xf32, #tpu.memory_space<vmem>>, vector<16xf32>,
    %div3A = arith.constant 1.000000e+00 : f32
    %div3A_46 = vector.broadcast %div3A : f32 to vector<16xf32>
    %div3A_47 = arith.divf %div3A_46, %get3A_45 : vector<16xf32>
    %add3A_48 = arith.constant 1.000000e-03 : f32
    %add3A_49 = vector.broadcast %add3A_48 : f32 to vector<16xf32>
    %add3A_50 = arith.addf %div3A_47, %add3A_49 : vector<16xf32>
    %swap3A_51 = arith.constant 0 : index
    %swap3A_52 = tpu.vector_load %arg11[%swap3A_51] {strides = array<i32>} : memref<16xf32, #tpu.memory_space<vmem>>, vector<16xf32>,
    tpu.vector_store %arg11[%swap3A_51], %add3A_50 {strides = array<i32>} : memref<16xf32, #tpu.memory_space<vmem>>, vector<16xf32>,
    %dma_start3A = arith.constant 0 : i32
    %dma_start3A_53 = tpu.memref_slice %arg7[%dma_start3A] : memref<32768xf32, #tpu.memory_space<vmem>> -> memref<16384xf32, #tpu.memory_space<vmem>>
    %dma_start3A_54 = tpu.memref_slice %arg2[%mul3A_2] : memref<16777216xf32, #tpu.memory_space<hbm>> -> memref<16384xf32, #tpu.memory_space<hbm>>
    %dma_start3A_55 = arith.constant 0 : i32
    %dma_start3A_56 = tpu.memref_slice %arg7[%dma_start3A_55] : memref<32768xf32, #tpu.memory_space<vmem>> -> memref<16384xf32, #tpu.memory_space<vmem>>
    %dma_start3A_57 = tpu.memref_slice %arg2[%mul3A_2] : memref<16777216xf32, #tpu.memory_space<hbm>> -> memref<16384xf32, #tpu.memory_space<hbm>>
    tpu.enqueue_dma source(%dma_start3A_57 : memref<16384xf32, #tpu.memory_space<hbm>>) target(%dma_start3A_56 : memref<16384xf32, #tpu.memory_space<vmem>>) target_semaphore(%arg12 : memref<!tpu.dma_semaphore, #tpu.memory_space<semaphore_mem>>)
    %dma_start3A_58 = arith.constant 0 : i32
    %dma_start3A_59 = tpu.memref_slice %arg8[%dma_start3A_58] : memref<32768xf32, #tpu.memory_space<vmem>> -> memref<16384xf32, #tpu.memory_space<vmem>>
    %dma_start3A_60 = tpu.memref_slice %arg3[%mul3A_2] : memref<16777216xf32, #tpu.memory_space<hbm>> -> memref<16384xf32, #tpu.memory_space<hbm>>
    %dma_start3A_61 = arith.constant 0 : i32
    %dma_start3A_62 = tpu.memref_slice %arg8[%dma_start3A_61] : memref<32768xf32, #tpu.memory_space<vmem>> -> memref<16384xf32, #tpu.memory_space<vmem>>
    %dma_start3A_63 = tpu.memref_slice %arg3[%mul3A_2] : memref<16777216xf32, #tpu.memory_space<hbm>> -> memref<16384xf32, #tpu.memory_space<hbm>>
    tpu.enqueue_dma source(%dma_start3A_63 : memref<16384xf32, #tpu.memory_space<hbm>>) target(%dma_start3A_62 : memref<16384xf32, #tpu.memory_space<vmem>>) target_semaphore(%arg14 : memref<!tpu.dma_semaphore, #tpu.memory_space<semaphore_mem>>)
    %scan3A = arith.constant 0 : i32
    %scan3A_64 = arith.constant 0 : i32
    %scan3A_65 = arith.constant 16 : i32
    %scan3A_66 = arith.addi %scan3A_64, %scan3A_65 : i32
    %scan3A_67 = arith.constant 1 : i32
    scf.for %scan3A_140 = %scan3A_64 to %scan3A_66 step %scan3A_67  : i32 {
      %mul3A_141 = arith.constant 2 : i32
      %mul3A_142 = arith.muli %mul3A_141, %scan3A_140 : i32
      %add3A_143 = arith.constant 1 : i32
      %add3A_144 = arith.addi %mul3A_142, %add3A_143 : i32
      %mul3A_145 = arith.constant 16384 : i32
      %mul3A_146 = arith.muli %add3A_144, %mul3A_145 : i32
      %add3A_147 = arith.addi %mul3A_2, %mul3A_146 : i32
      %dma_start3A_148 = arith.constant 16384 : i32
      %dma_start3A_149 = tpu.memref_slice %arg7[%dma_start3A_148] : memref<32768xf32, #tpu.memory_space<vmem>> -> memref<16384xf32, #tpu.memory_space<vmem>>
      %dma_start3A_150 = tpu.memref_slice %arg2[%add3A_147] : memref<16777216xf32, #tpu.memory_space<hbm>> -> memref<16384xf32, #tpu.memory_space<hbm>>
      %dma_start3A_151 = arith.constant 16384 : i32
      %dma_start3A_152 = tpu.memref_slice %arg7[%dma_start3A_151] : memref<32768xf32, #tpu.memory_space<vmem>> -> memref<16384xf32, #tpu.memory_space<vmem>>
      %dma_start3A_153 = tpu.memref_slice %arg2[%add3A_147] : memref<16777216xf32, #tpu.memory_space<hbm>> -> memref<16384xf32, #tpu.memory_space<hbm>>
      tpu.enqueue_dma source(%dma_start3A_153 : memref<16384xf32, #tpu.memory_space<hbm>>) target(%dma_start3A_152 : memref<16384xf32, #tpu.memory_space<vmem>>) target_semaphore(%arg13 : memref<!tpu.dma_semaphore, #tpu.memory_space<semaphore_mem>>)
      %dma_start3A_154 = arith.constant 16384 : i32
      %dma_start3A_155 = tpu.memref_slice %arg8[%dma_start3A_154] : memref<32768xf32, #tpu.memory_space<vmem>> -> memref<16384xf32, #tpu.memory_space<vmem>>
      %dma_start3A_156 = tpu.memref_slice %arg3[%add3A_147] : memref<16777216xf32, #tpu.memory_space<hbm>> -> memref<16384xf32, #tpu.memory_space<hbm>>
      %dma_start3A_157 = arith.constant 16384 : i32
      %dma_start3A_158 = tpu.memref_slice %arg8[%dma_start3A_157] : memref<32768xf32, #tpu.memory_space<vmem>> -> memref<16384xf32, #tpu.memory_space<vmem>>
      %dma_start3A_159 = tpu.memref_slice %arg3[%add3A_147] : memref<16777216xf32, #tpu.memory_space<hbm>> -> memref<16384xf32, #tpu.memory_space<hbm>>
      tpu.enqueue_dma source(%dma_start3A_159 : memref<16384xf32, #tpu.memory_space<hbm>>) target(%dma_start3A_158 : memref<16384xf32, #tpu.memory_space<vmem>>) target_semaphore(%arg15 : memref<!tpu.dma_semaphore, #tpu.memory_space<semaphore_mem>>)
      %dma_wait3A = arith.constant 0 : i32
      %dma_wait3A_160 = tpu.memref_slice %arg7[%dma_wait3A] : memref<32768xf32, #tpu.memory_space<vmem>> -> memref<16384xf32, #tpu.memory_space<vmem>>
      %dma_wait3A_161 = tpu.memref_slice %arg2[%mul3A_2] : memref<16777216xf32, #tpu.memory_space<hbm>> -> memref<16384xf32, #tpu.memory_space<hbm>>
      %dma_wait3A_162 = arith.constant 0 : i32
      %dma_wait3A_163 = tpu.memref_slice %arg7[%dma_wait3A_162] : memref<32768xf32, #tpu.memory_space<vmem>> -> memref<16384xf32, #tpu.memory_space<vmem>>
      %dma_wait3A_164 = tpu.memref_slice %arg2[%mul3A_2] : memref<16777216xf32, #tpu.memory_space<hbm>> -> memref<16384xf32, #tpu.memory_space<hbm>>
      tpu.wait_dma2 semaphore(%arg12 : memref<!tpu.dma_semaphore, #tpu.memory_space<semaphore_mem>>) src(%dma_wait3A_164 : memref<16384xf32, #tpu.memory_space<hbm>>) dst(%dma_wait3A_163 : memref<16384xf32, #tpu.memory_space<vmem>>)
      %dma_wait3A_165 = arith.constant 0 : i32
      %dma_wait3A_166 = tpu.memref_slice %arg8[%dma_wait3A_165] : memref<32768xf32, #tpu.memory_space<vmem>> -> memref<16384xf32, #tpu.memory_space<vmem>>
      %dma_wait3A_167 = tpu.memref_slice %arg3[%mul3A_2] : memref<16777216xf32, #tpu.memory_space<hbm>> -> memref<16384xf32, #tpu.memory_space<hbm>>
      %dma_wait3A_168 = arith.constant 0 : i32
      %dma_wait3A_169 = tpu.memref_slice %arg8[%dma_wait3A_168] : memref<32768xf32, #tpu.memory_space<vmem>> -> memref<16384xf32, #tpu.memory_space<vmem>>
      %dma_wait3A_170 = tpu.memref_slice %arg3[%mul3A_2] : memref<16777216xf32, #tpu.memory_space<hbm>> -> memref<16384xf32, #tpu.memory_space<hbm>>
      tpu.wait_dma2 semaphore(%arg14 : memref<!tpu.dma_semaphore, #tpu.memory_space<semaphore_mem>>) src(%dma_wait3A_170 : memref<16384xf32, #tpu.memory_space<hbm>>) dst(%dma_wait3A_169 : memref<16384xf32, #tpu.memory_space<vmem>>)
      %scan3A_171 = arith.constant 0 : i32
      %scan3A_172 = arith.constant 0 : i32
      %scan3A_173 = arith.constant 1024 : i32
      %scan3A_174 = arith.addi %scan3A_172, %scan3A_173 : i32
      %scan3A_175 = arith.constant 4 : i32
      scf.for %scan3A_197 = %scan3A_172 to %scan3A_174 step %scan3A_175  : i32 {
        %shift_left3A = arith.constant 4 : i32
        %shift_left3A_198 = arith.shli %scan3A_197, %shift_left3A : i32
        %get3A_199 = arith.constant 0 : i32
        %get3A_200 = tpu.memref_slice %arg7[%get3A_199] : memref<32768xf32, #tpu.memory_space<vmem>> -> memref<16384xf32, #tpu.memory_space<vmem>>
        %get3A_201 = arith.index_cast %shift_left3A_198 : i32 to index
        %get3A_202 = tpu.vector_load %get3A_200[%get3A_201] {strides = array<i32>} : memref<16384xf32, #tpu.memory_space<vmem>>, vector<16xf32>,
        %get3A_203 = arith.constant 0 : i32
        %get3A_204 = tpu.memref_slice %arg8[%get3A_203] : memref<32768xf32, #tpu.memory_space<vmem>> -> memref<16384xf32, #tpu.memory_space<vmem>>
        %get3A_205 = arith.index_cast %shift_left3A_198 : i32 to index
        %get3A_206 = tpu.vector_load %get3A_204[%get3A_205] {strides = array<i32>} : memref<16384xf32, #tpu.memory_space<vmem>>, vector<16xf32>,
        %sub3A = arith.constant 1.000000e+00 : f32
        %sub3A_207 = vector.broadcast %sub3A : f32 to vector<16xf32>
        %sub3A_208 = arith.subf %sub3A_207, %get3A_202 : vector<16xf32>
        %gt3A = arith.constant 0.000000e+00 : f32
        %gt3A_209 = vector.broadcast %gt3A : f32 to vector<16xf32>
        %gt3A_210 = arith.cmpf ogt, %get3A_202, %gt3A_209 : vector<16xf32>
        %bitcast3A = vector.bitcast %get3A_202 : vector<16xf32> to vector<16xi32>
        %sub3A_211 = arith.constant 1060439283 : i32
        %sub3A_212 = vector.broadcast %sub3A_211 : i32 to vector<16xi32>
        %sub3A_213 = arith.subi %bitcast3A, %sub3A_212 : vector<16xi32>
        %shift_right_arithmetic3A = arith.constant 23 : i32
        %shift_right_arithmetic3A_214 = vector.broadcast %shift_right_arithmetic3A : i32 to vector<16xi32>
        %shift_right_arithmetic3A_215 = arith.shrsi %sub3A_213, %shift_right_arithmetic3A_214 : vector<16xi32>
        %shift_left3A_216 = arith.constant 23 : i32
        %shift_left3A_217 = vector.broadcast %shift_left3A_216 : i32 to vector<16xi32>
        %shift_left3A_218 = arith.shli %shift_right_arithmetic3A_215, %shift_left3A_217 : vector<16xi32>
        %sub3A_219 = arith.subi %bitcast3A, %shift_left3A_218 : vector<16xi32>
        %bitcast3A_220 = vector.bitcast %sub3A_219 : vector<16xi32> to vector<16xf32>
        %convert_element_type3A_221 = arith.sitofp %shift_right_arithmetic3A_215 : vector<16xi32> to vector<16xf32>
        %sub3A_222 = arith.constant 1.000000e+00 : f32
        %sub3A_223 = vector.broadcast %sub3A_222 : f32 to vector<16xf32>
        %sub3A_224 = arith.subf %bitcast3A_220, %sub3A_223 : vector<16xf32>
        %add3A_225 = arith.constant 1.000000e+00 : f32
        %add3A_226 = vector.broadcast %add3A_225 : f32 to vector<16xf32>
        %add3A_227 = arith.addf %bitcast3A_220, %add3A_226 : vector<16xf32>
        %div3A_228 = arith.divf %sub3A_224, %add3A_227 : vector<16xf32>
        %mul3A_229 = arith.mulf %div3A_228, %div3A_228 : vector<16xf32>
        %mul3A_230 = arith.constant 0.142857149 : f32
        %mul3A_231 = vector.broadcast %mul3A_230 : f32 to vector<16xf32>
        %mul3A_232 = arith.mulf %mul3A_229, %mul3A_231 : vector<16xf32>
        %add3A_233 = arith.constant 2.000000e-01 : f32
        %add3A_234 = vector.broadcast %add3A_233 : f32 to vector<16xf32>
        %add3A_235 = arith.addf %add3A_234, %mul3A_232 : vector<16xf32>
        %mul3A_236 = arith.mulf %mul3A_229, %add3A_235 : vector<16xf32>
        %add3A_237 = arith.constant 0.333333343 : f32
        %add3A_238 = vector.broadcast %add3A_237 : f32 to vector<16xf32>
        %add3A_239 = arith.addf %add3A_238, %mul3A_236 : vector<16xf32>
        %mul3A_240 = arith.mulf %mul3A_229, %add3A_239 : vector<16xf32>
        %add3A_241 = arith.constant 1.000000e+00 : f32
        %add3A_242 = vector.broadcast %add3A_241 : f32 to vector<16xf32>
        %add3A_243 = arith.addf %add3A_242, %mul3A_240 : vector<16xf32>
        %mul3A_244 = arith.constant 0.693147182 : f32
        %mul3A_245 = vector.broadcast %mul3A_244 : f32 to vector<16xf32>
        %mul3A_246 = arith.mulf %convert_element_type3A_221, %mul3A_245 : vector<16xf32>
        %add3A_247 = arith.addf %div3A_228, %div3A_228 : vector<16xf32>
        %mul3A_248 = arith.mulf %add3A_247, %add3A_243 : vector<16xf32>
        %add3A_249 = arith.addf %mul3A_246, %mul3A_248 : vector<16xf32>
        %jit3A = arith.constant -1.000000e+02 : f32
        %broadcast_in_dim3A_250 = vector.broadcast %jit3A : f32 to vector<16xf32>
        %select_n3A = arith.select %gt3A_210, %add3A_249, %broadcast_in_dim3A_250 : vector<16xi1>, vector<16xf32>
        %gt3A_251 = arith.constant 0.000000e+00 : f32
        %gt3A_252 = vector.broadcast %gt3A_251 : f32 to vector<16xf32>
        %gt3A_253 = arith.cmpf ogt, %sub3A_208, %gt3A_252 : vector<16xf32>
        %bitcast3A_254 = vector.bitcast %sub3A_208 : vector<16xf32> to vector<16xi32>
        %sub3A_255 = arith.constant 1060439283 : i32
        %sub3A_256 = vector.broadcast %sub3A_255 : i32 to vector<16xi32>
        %sub3A_257 = arith.subi %bitcast3A_254, %sub3A_256 : vector<16xi32>
        %shift_right_arithmetic3A_258 = arith.constant 23 : i32
        %shift_right_arithmetic3A_259 = vector.broadcast %shift_right_arithmetic3A_258 : i32 to vector<16xi32>
        %shift_right_arithmetic3A_260 = arith.shrsi %sub3A_257, %shift_right_arithmetic3A_259 : vector<16xi32>
        %shift_left3A_261 = arith.constant 23 : i32
        %shift_left3A_262 = vector.broadcast %shift_left3A_261 : i32 to vector<16xi32>
        %shift_left3A_263 = arith.shli %shift_right_arithmetic3A_260, %shift_left3A_262 : vector<16xi32>
        %sub3A_264 = arith.subi %bitcast3A_254, %shift_left3A_263 : vector<16xi32>
        %bitcast3A_265 = vector.bitcast %sub3A_264 : vector<16xi32> to vector<16xf32>
        %convert_element_type3A_266 = arith.sitofp %shift_right_arithmetic3A_260 : vector<16xi32> to vector<16xf32>
        %sub3A_267 = arith.constant 1.000000e+00 : f32
        %sub3A_268 = vector.broadcast %sub3A_267 : f32 to vector<16xf32>
        %sub3A_269 = arith.subf %bitcast3A_265, %sub3A_268 : vector<16xf32>
        %add3A_270 = arith.constant 1.000000e+00 : f32
        %add3A_271 = vector.broadcast %add3A_270 : f32 to vector<16xf32>
        %add3A_272 = arith.addf %bitcast3A_265, %add3A_271 : vector<16xf32>
        %div3A_273 = arith.divf %sub3A_269, %add3A_272 : vector<16xf32>
        %mul3A_274 = arith.mulf %div3A_273, %div3A_273 : vector<16xf32>
        %mul3A_275 = arith.constant 0.142857149 : f32
        %mul3A_276 = vector.broadcast %mul3A_275 : f32 to vector<16xf32>
        %mul3A_277 = arith.mulf %mul3A_274, %mul3A_276 : vector<16xf32>
        %add3A_278 = arith.constant 2.000000e-01 : f32
        %add3A_279 = vector.broadcast %add3A_278 : f32 to vector<16xf32>
        %add3A_280 = arith.addf %add3A_279, %mul3A_277 : vector<16xf32>
        %mul3A_281 = arith.mulf %mul3A_274, %add3A_280 : vector<16xf32>
        %add3A_282 = arith.constant 0.333333343 : f32
        %add3A_283 = vector.broadcast %add3A_282 : f32 to vector<16xf32>
        %add3A_284 = arith.addf %add3A_283, %mul3A_281 : vector<16xf32>
        %mul3A_285 = arith.mulf %mul3A_274, %add3A_284 : vector<16xf32>
        %add3A_286 = arith.constant 1.000000e+00 : f32
        %add3A_287 = vector.broadcast %add3A_286 : f32 to vector<16xf32>
        %add3A_288 = arith.addf %add3A_287, %mul3A_285 : vector<16xf32>
        %mul3A_289 = arith.constant 0.693147182 : f32
        %mul3A_290 = vector.broadcast %mul3A_289 : f32 to vector<16xf32>
        %mul3A_291 = arith.mulf %convert_element_type3A_266, %mul3A_290 : vector<16xf32>
        %add3A_292 = arith.addf %div3A_273, %div3A_273 : vector<16xf32>
        %mul3A_293 = arith.mulf %add3A_292, %add3A_288 : vector<16xf32>
        %add3A_294 = arith.addf %mul3A_291, %mul3A_293 : vector<16xf32>
        %jit3A_295 = arith.constant -1.000000e+02 : f32
        %broadcast_in_dim3A_296 = vector.broadcast %jit3A_295 : f32 to vector<16xf32>
        %select_n3A_297 = arith.select %gt3A_253, %add3A_294, %broadcast_in_dim3A_296 : vector<16xi1>, vector<16xf32>
        %sub3A_298 = arith.subf %select_n3A_297, %select_n3A : vector<16xf32>
        %mul3A_299 = arith.mulf %get3A_206, %sub3A_298 : vector<16xf32>
        %sub3A_300 = arith.subf %mul3A_299, %select_n3A_297 : vector<16xf32>
        %sub3A_301 = arith.subf %get3A_202, %get3A_206 : vector<16xf32>
        %abs3A = math.absf %sub3A_301 : vector<16xf32>
        %mul3A_302 = arith.constant 1.000000e+01 : f32
        %mul3A_303 = vector.broadcast %mul3A_302 : f32 to vector<16xf32>
        %mul3A_304 = arith.mulf %abs3A, %mul3A_303 : vector<16xf32>
        %convert_element_type3A_305 = arith.fptosi %mul3A_304 : vector<16xf32> to vector<16xi32>
        %min3A = arith.constant 9 : i32
        %min3A_306 = vector.broadcast %min3A : i32 to vector<16xi32>
        %min3A_307 = arith.minsi %convert_element_type3A_305, %min3A_306 : vector<16xi32>
        %shift_left3A_308 = arith.constant 4 : i32
        %shift_left3A_309 = vector.broadcast %shift_left3A_308 : i32 to vector<16xi32>
        %shift_left3A_310 = arith.shli %min3A_307, %shift_left3A_309 : vector<16xi32>
        %add3A_311 = arith.addi %shift_left3A_310, %iota3A : vector<16xi32>
        tpu.vector_store_idx %arg9[%add3A_311], %sub3A_300 {add = true} : memref<160xf32, #tpu.memory_space<vmem>>[vector<16xi32>], vector<16xf32>,
        tpu.vector_store_idx %arg10[%add3A_311], %broadcast_in_dim3A_5 {add = true} : memref<160xf32, #tpu.memory_space<vmem>>[vector<16xi32>], vector<16xf32>,
        %scan3A_312 = arith.constant 1 : i32
        %scan3A_313 = arith.addi %scan3A_197, %scan3A_312 : i32
        %shift_left3A_314 = arith.constant 4 : i32
        %shift_left3A_315 = arith.shli %scan3A_313, %shift_left3A_314 : i32
        %get3A_316 = arith.constant 0 : i32
        %get3A_317 = tpu.memref_slice %arg7[%get3A_316] : memref<32768xf32, #tpu.memory_space<vmem>> -> memref<16384xf32, #tpu.memory_space<vmem>>
        %get3A_318 = arith.index_cast %shift_left3A_315 : i32 to index
        %get3A_319 = tpu.vector_load %get3A_317[%get3A_318] {strides = array<i32>} : memref<16384xf32, #tpu.memory_space<vmem>>, vector<16xf32>,
        %get3A_320 = arith.constant 0 : i32
        %get3A_321 = tpu.memref_slice %arg8[%get3A_320] : memref<32768xf32, #tpu.memory_space<vmem>> -> memref<16384xf32, #tpu.memory_space<vmem>>
        %get3A_322 = arith.index_cast %shift_left3A_315 : i32 to index
        %get3A_323 = tpu.vector_load %get3A_321[%get3A_322] {strides = array<i32>} : memref<16384xf32, #tpu.memory_space<vmem>>, vector<16xf32>,
        %sub3A_324 = arith.constant 1.000000e+00 : f32
        %sub3A_325 = vector.broadcast %sub3A_324 : f32 to vector<16xf32>
        %sub3A_326 = arith.subf %sub3A_325, %get3A_319 : vector<16xf32>
        %gt3A_327 = arith.constant 0.000000e+00 : f32
        %gt3A_328 = vector.broadcast %gt3A_327 : f32 to vector<16xf32>
        %gt3A_329 = arith.cmpf ogt, %get3A_319, %gt3A_328 : vector<16xf32>
        %bitcast3A_330 = vector.bitcast %get3A_319 : vector<16xf32> to vector<16xi32>
        %sub3A_331 = arith.constant 1060439283 : i32
        %sub3A_332 = vector.broadcast %sub3A_331 : i32 to vector<16xi32>
        %sub3A_333 = arith.subi %bitcast3A_330, %sub3A_332 : vector<16xi32>
        %shift_right_arithmetic3A_334 = arith.constant 23 : i32
        %shift_right_arithmetic3A_335 = vector.broadcast %shift_right_arithmetic3A_334 : i32 to vector<16xi32>
        %shift_right_arithmetic3A_336 = arith.shrsi %sub3A_333, %shift_right_arithmetic3A_335 : vector<16xi32>
        %shift_left3A_337 = arith.constant 23 : i32
        %shift_left3A_338 = vector.broadcast %shift_left3A_337 : i32 to vector<16xi32>
        %shift_left3A_339 = arith.shli %shift_right_arithmetic3A_336, %shift_left3A_338 : vector<16xi32>
        %sub3A_340 = arith.subi %bitcast3A_330, %shift_left3A_339 : vector<16xi32>
        %bitcast3A_341 = vector.bitcast %sub3A_340 : vector<16xi32> to vector<16xf32>
        %convert_element_type3A_342 = arith.sitofp %shift_right_arithmetic3A_336 : vector<16xi32> to vector<16xf32>
        %sub3A_343 = arith.constant 1.000000e+00 : f32
        %sub3A_344 = vector.broadcast %sub3A_343 : f32 to vector<16xf32>
        %sub3A_345 = arith.subf %bitcast3A_341, %sub3A_344 : vector<16xf32>
        %add3A_346 = arith.constant 1.000000e+00 : f32
        %add3A_347 = vector.broadcast %add3A_346 : f32 to vector<16xf32>
        %add3A_348 = arith.addf %bitcast3A_341, %add3A_347 : vector<16xf32>
        %div3A_349 = arith.divf %sub3A_345, %add3A_348 : vector<16xf32>
        %mul3A_350 = arith.mulf %div3A_349, %div3A_349 : vector<16xf32>
        %mul3A_351 = arith.constant 0.142857149 : f32
        %mul3A_352 = vector.broadcast %mul3A_351 : f32 to vector<16xf32>
        %mul3A_353 = arith.mulf %mul3A_350, %mul3A_352 : vector<16xf32>
        %add3A_354 = arith.constant 2.000000e-01 : f32
        %add3A_355 = vector.broadcast %add3A_354 : f32 to vector<16xf32>
        %add3A_356 = arith.addf %add3A_355, %mul3A_353 : vector<16xf32>
        %mul3A_357 = arith.mulf %mul3A_350, %add3A_356 : vector<16xf32>
        %add3A_358 = arith.constant 0.333333343 : f32
        %add3A_359 = vector.broadcast %add3A_358 : f32 to vector<16xf32>
        %add3A_360 = arith.addf %add3A_359, %mul3A_357 : vector<16xf32>
        %mul3A_361 = arith.mulf %mul3A_350, %add3A_360 : vector<16xf32>
        %add3A_362 = arith.constant 1.000000e+00 : f32
        %add3A_363 = vector.broadcast %add3A_362 : f32 to vector<16xf32>
        %add3A_364 = arith.addf %add3A_363, %mul3A_361 : vector<16xf32>
        %mul3A_365 = arith.constant 0.693147182 : f32
        %mul3A_366 = vector.broadcast %mul3A_365 : f32 to vector<16xf32>
        %mul3A_367 = arith.mulf %convert_element_type3A_342, %mul3A_366 : vector<16xf32>
        %add3A_368 = arith.addf %div3A_349, %div3A_349 : vector<16xf32>
        %mul3A_369 = arith.mulf %add3A_368, %add3A_364 : vector<16xf32>
        %add3A_370 = arith.addf %mul3A_367, %mul3A_369 : vector<16xf32>
        %jit3A_371 = arith.constant -1.000000e+02 : f32
        %broadcast_in_dim3A_372 = vector.broadcast %jit3A_371 : f32 to vector<16xf32>
        %select_n3A_373 = arith.select %gt3A_329, %add3A_370, %broadcast_in_dim3A_372 : vector<16xi1>, vector<16xf32>
        %gt3A_374 = arith.constant 0.000000e+00 : f32
        %gt3A_375 = vector.broadcast %gt3A_374 : f32 to vector<16xf32>
        %gt3A_376 = arith.cmpf ogt, %sub3A_326, %gt3A_375 : vector<16xf32>
        %bitcast3A_377 = vector.bitcast %sub3A_326 : vector<16xf32> to vector<16xi32>
        %sub3A_378 = arith.constant 1060439283 : i32
        %sub3A_379 = vector.broadcast %sub3A_378 : i32 to vector<16xi32>
        %sub3A_380 = arith.subi %bitcast3A_377, %sub3A_379 : vector<16xi32>
        %shift_right_arithmetic3A_381 = arith.constant 23 : i32
        %shift_right_arithmetic3A_382 = vector.broadcast %shift_right_arithmetic3A_381 : i32 to vector<16xi32>
        %shift_right_arithmetic3A_383 = arith.shrsi %sub3A_380, %shift_right_arithmetic3A_382 : vector<16xi32>
        %shift_left3A_384 = arith.constant 23 : i32
        %shift_left3A_385 = vector.broadcast %shift_left3A_384 : i32 to vector<16xi32>
        %shift_left3A_386 = arith.shli %shift_right_arithmetic3A_383, %shift_left3A_385 : vector<16xi32>
        %sub3A_387 = arith.subi %bitcast3A_377, %shift_left3A_386 : vector<16xi32>
        %bitcast3A_388 = vector.bitcast %sub3A_387 : vector<16xi32> to vector<16xf32>
        %convert_element_type3A_389 = arith.sitofp %shift_right_arithmetic3A_383 : vector<16xi32> to vector<16xf32>
        %sub3A_390 = arith.constant 1.000000e+00 : f32
        %sub3A_391 = vector.broadcast %sub3A_390 : f32 to vector<16xf32>
        %sub3A_392 = arith.subf %bitcast3A_388, %sub3A_391 : vector<16xf32>
        %add3A_393 = arith.constant 1.000000e+00 : f32
        %add3A_394 = vector.broadcast %add3A_393 : f32 to vector<16xf32>
        %add3A_395 = arith.addf %bitcast3A_388, %add3A_394 : vector<16xf32>
        %div3A_396 = arith.divf %sub3A_392, %add3A_395 : vector<16xf32>
        %mul3A_397 = arith.mulf %div3A_396, %div3A_396 : vector<16xf32>
        %mul3A_398 = arith.constant 0.142857149 : f32
        %mul3A_399 = vector.broadcast %mul3A_398 : f32 to vector<16xf32>
        %mul3A_400 = arith.mulf %mul3A_397, %mul3A_399 : vector<16xf32>
        %add3A_401 = arith.constant 2.000000e-01 : f32
        %add3A_402 = vector.broadcast %add3A_401 : f32 to vector<16xf32>
        %add3A_403 = arith.addf %add3A_402, %mul3A_400 : vector<16xf32>
        %mul3A_404 = arith.mulf %mul3A_397, %add3A_403 : vector<16xf32>
        %add3A_405 = arith.constant 0.333333343 : f32
        %add3A_406 = vector.broadcast %add3A_405 : f32 to vector<16xf32>
        %add3A_407 = arith.addf %add3A_406, %mul3A_404 : vector<16xf32>
        %mul3A_408 = arith.mulf %mul3A_397, %add3A_407 : vector<16xf32>
        %add3A_409 = arith.constant 1.000000e+00 : f32
        %add3A_410 = vector.broadcast %add3A_409 : f32 to vector<16xf32>
        %add3A_411 = arith.addf %add3A_410, %mul3A_408 : vector<16xf32>
        %mul3A_412 = arith.constant 0.693147182 : f32
        %mul3A_413 = vector.broadcast %mul3A_412 : f32 to vector<16xf32>
        %mul3A_414 = arith.mulf %convert_element_type3A_389, %mul3A_413 : vector<16xf32>
        %add3A_415 = arith.addf %div3A_396, %div3A_396 : vector<16xf32>
        %mul3A_416 = arith.mulf %add3A_415, %add3A_411 : vector<16xf32>
        %add3A_417 = arith.addf %mul3A_414, %mul3A_416 : vector<16xf32>
        %jit3A_418 = arith.constant -1.000000e+02 : f32
        %broadcast_in_dim3A_419 = vector.broadcast %jit3A_418 : f32 to vector<16xf32>
        %select_n3A_420 = arith.select %gt3A_376, %add3A_417, %broadcast_in_dim3A_419 : vector<16xi1>, vector<16xf32>
        %sub3A_421 = arith.subf %select_n3A_420, %select_n3A_373 : vector<16xf32>
        %mul3A_422 = arith.mulf %get3A_323, %sub3A_421 : vector<16xf32>
        %sub3A_423 = arith.subf %mul3A_422, %select_n3A_420 : vector<16xf32>
        %sub3A_424 = arith.subf %get3A_319, %get3A_323 : vector<16xf32>
        %abs3A_425 = math.absf %sub3A_424 : vector<16xf32>
        %mul3A_426 = arith.constant 1.000000e+01 : f32
        %mul3A_427 = vector.broadcast %mul3A_426 : f32 to vector<16xf32>
        %mul3A_428 = arith.mulf %abs3A_425, %mul3A_427 : vector<16xf32>
        %convert_element_type3A_429 = arith.fptosi %mul3A_428 : vector<16xf32> to vector<16xi32>
        %min3A_430 = arith.constant 9 : i32
        %min3A_431 = vector.broadcast %min3A_430 : i32 to vector<16xi32>
        %min3A_432 = arith.minsi %convert_element_type3A_429, %min3A_431 : vector<16xi32>
        %shift_left3A_433 = arith.constant 4 : i32
        %shift_left3A_434 = vector.broadcast %shift_left3A_433 : i32 to vector<16xi32>
        %shift_left3A_435 = arith.shli %min3A_432, %shift_left3A_434 : vector<16xi32>
        %add3A_436 = arith.addi %shift_left3A_435, %iota3A : vector<16xi32>
        tpu.vector_store_idx %arg9[%add3A_436], %sub3A_423 {add = true} : memref<160xf32, #tpu.memory_space<vmem>>[vector<16xi32>], vector<16xf32>,
        tpu.vector_store_idx %arg10[%add3A_436], %broadcast_in_dim3A_5 {add = true} : memref<160xf32, #tpu.memory_space<vmem>>[vector<16xi32>], vector<16xf32>,
        %scan3A_437 = arith.constant 2 : i32
        %scan3A_438 = arith.addi %scan3A_197, %scan3A_437 : i32
        %shift_left3A_439 = arith.constant 4 : i32
        %shift_left3A_440 = arith.shli %scan3A_438, %shift_left3A_439 : i32
        %get3A_441 = arith.constant 0 : i32
        %get3A_442 = tpu.memref_slice %arg7[%get3A_441] : memref<32768xf32, #tpu.memory_space<vmem>> -> memref<16384xf32, #tpu.memory_space<vmem>>
        %get3A_443 = arith.index_cast %shift_left3A_440 : i32 to index
        %get3A_444 = tpu.vector_load %get3A_442[%get3A_443] {strides = array<i32>} : memref<16384xf32, #tpu.memory_space<vmem>>, vector<16xf32>,
        %get3A_445 = arith.constant 0 : i32
        %get3A_446 = tpu.memref_slice %arg8[%get3A_445] : memref<32768xf32, #tpu.memory_space<vmem>> -> memref<16384xf32, #tpu.memory_space<vmem>>
        %get3A_447 = arith.index_cast %shift_left3A_440 : i32 to index
        %get3A_448 = tpu.vector_load %get3A_446[%get3A_447] {strides = array<i32>} : memref<16384xf32, #tpu.memory_space<vmem>>, vector<16xf32>,
        %sub3A_449 = arith.constant 1.000000e+00 : f32
        %sub3A_450 = vector.broadcast %sub3A_449 : f32 to vector<16xf32>
        %sub3A_451 = arith.subf %sub3A_450, %get3A_444 : vector<16xf32>
        %gt3A_452 = arith.constant 0.000000e+00 : f32
        %gt3A_453 = vector.broadcast %gt3A_452 : f32 to vector<16xf32>
        %gt3A_454 = arith.cmpf ogt, %get3A_444, %gt3A_453 : vector<16xf32>
        %bitcast3A_455 = vector.bitcast %get3A_444 : vector<16xf32> to vector<16xi32>
        %sub3A_456 = arith.constant 1060439283 : i32
        %sub3A_457 = vector.broadcast %sub3A_456 : i32 to vector<16xi32>
        %sub3A_458 = arith.subi %bitcast3A_455, %sub3A_457 : vector<16xi32>
        %shift_right_arithmetic3A_459 = arith.constant 23 : i32
        %shift_right_arithmetic3A_460 = vector.broadcast %shift_right_arithmetic3A_459 : i32 to vector<16xi32>
        %shift_right_arithmetic3A_461 = arith.shrsi %sub3A_458, %shift_right_arithmetic3A_460 : vector<16xi32>
        %shift_left3A_462 = arith.constant 23 : i32
        %shift_left3A_463 = vector.broadcast %shift_left3A_462 : i32 to vector<16xi32>
        %shift_left3A_464 = arith.shli %shift_right_arithmetic3A_461, %shift_left3A_463 : vector<16xi32>
        %sub3A_465 = arith.subi %bitcast3A_455, %shift_left3A_464 : vector<16xi32>
        %bitcast3A_466 = vector.bitcast %sub3A_465 : vector<16xi32> to vector<16xf32>
        %convert_element_type3A_467 = arith.sitofp %shift_right_arithmetic3A_461 : vector<16xi32> to vector<16xf32>
        %sub3A_468 = arith.constant 1.000000e+00 : f32
        %sub3A_469 = vector.broadcast %sub3A_468 : f32 to vector<16xf32>
        %sub3A_470 = arith.subf %bitcast3A_466, %sub3A_469 : vector<16xf32>
        %add3A_471 = arith.constant 1.000000e+00 : f32
        %add3A_472 = vector.broadcast %add3A_471 : f32 to vector<16xf32>
        %add3A_473 = arith.addf %bitcast3A_466, %add3A_472 : vector<16xf32>
        %div3A_474 = arith.divf %sub3A_470, %add3A_473 : vector<16xf32>
        %mul3A_475 = arith.mulf %div3A_474, %div3A_474 : vector<16xf32>
        %mul3A_476 = arith.constant 0.142857149 : f32
        %mul3A_477 = vector.broadcast %mul3A_476 : f32 to vector<16xf32>
        %mul3A_478 = arith.mulf %mul3A_475, %mul3A_477 : vector<16xf32>
        %add3A_479 = arith.constant 2.000000e-01 : f32
        %add3A_480 = vector.broadcast %add3A_479 : f32 to vector<16xf32>
        %add3A_481 = arith.addf %add3A_480, %mul3A_478 : vector<16xf32>
        %mul3A_482 = arith.mulf %mul3A_475, %add3A_481 : vector<16xf32>
        %add3A_483 = arith.constant 0.333333343 : f32
        %add3A_484 = vector.broadcast %add3A_483 : f32 to vector<16xf32>
        %add3A_485 = arith.addf %add3A_484, %mul3A_482 : vector<16xf32>
        %mul3A_486 = arith.mulf %mul3A_475, %add3A_485 : vector<16xf32>
        %add3A_487 = arith.constant 1.000000e+00 : f32
        %add3A_488 = vector.broadcast %add3A_487 : f32 to vector<16xf32>
        %add3A_489 = arith.addf %add3A_488, %mul3A_486 : vector<16xf32>
        %mul3A_490 = arith.constant 0.693147182 : f32
        %mul3A_491 = vector.broadcast %mul3A_490 : f32 to vector<16xf32>
        %mul3A_492 = arith.mulf %convert_element_type3A_467, %mul3A_491 : vector<16xf32>
        %add3A_493 = arith.addf %div3A_474, %div3A_474 : vector<16xf32>
        %mul3A_494 = arith.mulf %add3A_493, %add3A_489 : vector<16xf32>
        %add3A_495 = arith.addf %mul3A_492, %mul3A_494 : vector<16xf32>
        %jit3A_496 = arith.constant -1.000000e+02 : f32
        %broadcast_in_dim3A_497 = vector.broadcast %jit3A_496 : f32 to vector<16xf32>
        %select_n3A_498 = arith.select %gt3A_454, %add3A_495, %broadcast_in_dim3A_497 : vector<16xi1>, vector<16xf32>
        %gt3A_499 = arith.constant 0.000000e+00 : f32
        %gt3A_500 = vector.broadcast %gt3A_499 : f32 to vector<16xf32>
        %gt3A_501 = arith.cmpf ogt, %sub3A_451, %gt3A_500 : vector<16xf32>
        %bitcast3A_502 = vector.bitcast %sub3A_451 : vector<16xf32> to vector<16xi32>
        %sub3A_503 = arith.constant 1060439283 : i32
        %sub3A_504 = vector.broadcast %sub3A_503 : i32 to vector<16xi32>
        %sub3A_505 = arith.subi %bitcast3A_502, %sub3A_504 : vector<16xi32>
        %shift_right_arithmetic3A_506 = arith.constant 23 : i32
        %shift_right_arithmetic3A_507 = vector.broadcast %shift_right_arithmetic3A_506 : i32 to vector<16xi32>
        %shift_right_arithmetic3A_508 = arith.shrsi %sub3A_505, %shift_right_arithmetic3A_507 : vector<16xi32>
        %shift_left3A_509 = arith.constant 23 : i32
        %shift_left3A_510 = vector.broadcast %shift_left3A_509 : i32 to vector<16xi32>
        %shift_left3A_511 = arith.shli %shift_right_arithmetic3A_508, %shift_left3A_510 : vector<16xi32>
        %sub3A_512 = arith.subi %bitcast3A_502, %shift_left3A_511 : vector<16xi32>
        %bitcast3A_513 = vector.bitcast %sub3A_512 : vector<16xi32> to vector<16xf32>
        %convert_element_type3A_514 = arith.sitofp %shift_right_arithmetic3A_508 : vector<16xi32> to vector<16xf32>
        %sub3A_515 = arith.constant 1.000000e+00 : f32
        %sub3A_516 = vector.broadcast %sub3A_515 : f32 to vector<16xf32>
        %sub3A_517 = arith.subf %bitcast3A_513, %sub3A_516 : vector<16xf32>
        %add3A_518 = arith.constant 1.000000e+00 : f32
        %add3A_519 = vector.broadcast %add3A_518 : f32 to vector<16xf32>
        %add3A_520 = arith.addf %bitcast3A_513, %add3A_519 : vector<16xf32>
        %div3A_521 = arith.divf %sub3A_517, %add3A_520 : vector<16xf32>
        %mul3A_522 = arith.mulf %div3A_521, %div3A_521 : vector<16xf32>
        %mul3A_523 = arith.constant 0.142857149 : f32
        %mul3A_524 = vector.broadcast %mul3A_523 : f32 to vector<16xf32>
        %mul3A_525 = arith.mulf %mul3A_522, %mul3A_524 : vector<16xf32>
        %add3A_526 = arith.constant 2.000000e-01 : f32
        %add3A_527 = vector.broadcast %add3A_526 : f32 to vector<16xf32>
        %add3A_528 = arith.addf %add3A_527, %mul3A_525 : vector<16xf32>
        %mul3A_529 = arith.mulf %mul3A_522, %add3A_528 : vector<16xf32>
        %add3A_530 = arith.constant 0.333333343 : f32
        %add3A_531 = vector.broadcast %add3A_530 : f32 to vector<16xf32>
        %add3A_532 = arith.addf %add3A_531, %mul3A_529 : vector<16xf32>
        %mul3A_533 = arith.mulf %mul3A_522, %add3A_532 : vector<16xf32>
        %add3A_534 = arith.constant 1.000000e+00 : f32
        %add3A_535 = vector.broadcast %add3A_534 : f32 to vector<16xf32>
        %add3A_536 = arith.addf %add3A_535, %mul3A_533 : vector<16xf32>
        %mul3A_537 = arith.constant 0.693147182 : f32
        %mul3A_538 = vector.broadcast %mul3A_537 : f32 to vector<16xf32>
        %mul3A_539 = arith.mulf %convert_element_type3A_514, %mul3A_538 : vector<16xf32>
        %add3A_540 = arith.addf %div3A_521, %div3A_521 : vector<16xf32>
        %mul3A_541 = arith.mulf %add3A_540, %add3A_536 : vector<16xf32>
        %add3A_542 = arith.addf %mul3A_539, %mul3A_541 : vector<16xf32>
        %jit3A_543 = arith.constant -1.000000e+02 : f32
        %broadcast_in_dim3A_544 = vector.broadcast %jit3A_543 : f32 to vector<16xf32>
        %select_n3A_545 = arith.select %gt3A_501, %add3A_542, %broadcast_in_dim3A_544 : vector<16xi1>, vector<16xf32>
        %sub3A_546 = arith.subf %select_n3A_545, %select_n3A_498 : vector<16xf32>
        %mul3A_547 = arith.mulf %get3A_448, %sub3A_546 : vector<16xf32>
        %sub3A_548 = arith.subf %mul3A_547, %select_n3A_545 : vector<16xf32>
        %sub3A_549 = arith.subf %get3A_444, %get3A_448 : vector<16xf32>
        %abs3A_550 = math.absf %sub3A_549 : vector<16xf32>
        %mul3A_551 = arith.constant 1.000000e+01 : f32
        %mul3A_552 = vector.broadcast %mul3A_551 : f32 to vector<16xf32>
        %mul3A_553 = arith.mulf %abs3A_550, %mul3A_552 : vector<16xf32>
        %convert_element_type3A_554 = arith.fptosi %mul3A_553 : vector<16xf32> to vector<16xi32>
        %min3A_555 = arith.constant 9 : i32
        %min3A_556 = vector.broadcast %min3A_555 : i32 to vector<16xi32>
        %min3A_557 = arith.minsi %convert_element_type3A_554, %min3A_556 : vector<16xi32>
        %shift_left3A_558 = arith.constant 4 : i32
        %shift_left3A_559 = vector.broadcast %shift_left3A_558 : i32 to vector<16xi32>
        %shift_left3A_560 = arith.shli %min3A_557, %shift_left3A_559 : vector<16xi32>
        %add3A_561 = arith.addi %shift_left3A_560, %iota3A : vector<16xi32>
        tpu.vector_store_idx %arg9[%add3A_561], %sub3A_548 {add = true} : memref<160xf32, #tpu.memory_space<vmem>>[vector<16xi32>], vector<16xf32>,
        tpu.vector_store_idx %arg10[%add3A_561], %broadcast_in_dim3A_5 {add = true} : memref<160xf32, #tpu.memory_space<vmem>>[vector<16xi32>], vector<16xf32>,
        %scan3A_562 = arith.constant 3 : i32
        %scan3A_563 = arith.addi %scan3A_197, %scan3A_562 : i32
        %shift_left3A_564 = arith.constant 4 : i32
        %shift_left3A_565 = arith.shli %scan3A_563, %shift_left3A_564 : i32
        %get3A_566 = arith.constant 0 : i32
        %get3A_567 = tpu.memref_slice %arg7[%get3A_566] : memref<32768xf32, #tpu.memory_space<vmem>> -> memref<16384xf32, #tpu.memory_space<vmem>>
        %get3A_568 = arith.index_cast %shift_left3A_565 : i32 to index
        %get3A_569 = tpu.vector_load %get3A_567[%get3A_568] {strides = array<i32>} : memref<16384xf32, #tpu.memory_space<vmem>>, vector<16xf32>,
        %get3A_570 = arith.constant 0 : i32
        %get3A_571 = tpu.memref_slice %arg8[%get3A_570] : memref<32768xf32, #tpu.memory_space<vmem>> -> memref<16384xf32, #tpu.memory_space<vmem>>
        %get3A_572 = arith.index_cast %shift_left3A_565 : i32 to index
        %get3A_573 = tpu.vector_load %get3A_571[%get3A_572] {strides = array<i32>} : memref<16384xf32, #tpu.memory_space<vmem>>, vector<16xf32>,
        %sub3A_574 = arith.constant 1.000000e+00 : f32
        %sub3A_575 = vector.broadcast %sub3A_574 : f32 to vector<16xf32>
        %sub3A_576 = arith.subf %sub3A_575, %get3A_569 : vector<16xf32>
        %gt3A_577 = arith.constant 0.000000e+00 : f32
        %gt3A_578 = vector.broadcast %gt3A_577 : f32 to vector<16xf32>
        %gt3A_579 = arith.cmpf ogt, %get3A_569, %gt3A_578 : vector<16xf32>
        %bitcast3A_580 = vector.bitcast %get3A_569 : vector<16xf32> to vector<16xi32>
        %sub3A_581 = arith.constant 1060439283 : i32
        %sub3A_582 = vector.broadcast %sub3A_581 : i32 to vector<16xi32>
        %sub3A_583 = arith.subi %bitcast3A_580, %sub3A_582 : vector<16xi32>
        %shift_right_arithmetic3A_584 = arith.constant 23 : i32
        %shift_right_arithmetic3A_585 = vector.broadcast %shift_right_arithmetic3A_584 : i32 to vector<16xi32>
        %shift_right_arithmetic3A_586 = arith.shrsi %sub3A_583, %shift_right_arithmetic3A_585 : vector<16xi32>
        %shift_left3A_587 = arith.constant 23 : i32
        %shift_left3A_588 = vector.broadcast %shift_left3A_587 : i32 to vector<16xi32>
        %shift_left3A_589 = arith.shli %shift_right_arithmetic3A_586, %shift_left3A_588 : vector<16xi32>
        %sub3A_590 = arith.subi %bitcast3A_580, %shift_left3A_589 : vector<16xi32>
        %bitcast3A_591 = vector.bitcast %sub3A_590 : vector<16xi32> to vector<16xf32>
        %convert_element_type3A_592 = arith.sitofp %shift_right_arithmetic3A_586 : vector<16xi32> to vector<16xf32>
        %sub3A_593 = arith.constant 1.000000e+00 : f32
        %sub3A_594 = vector.broadcast %sub3A_593 : f32 to vector<16xf32>
        %sub3A_595 = arith.subf %bitcast3A_591, %sub3A_594 : vector<16xf32>
        %add3A_596 = arith.constant 1.000000e+00 : f32
        %add3A_597 = vector.broadcast %add3A_596 : f32 to vector<16xf32>
        %add3A_598 = arith.addf %bitcast3A_591, %add3A_597 : vector<16xf32>
        %div3A_599 = arith.divf %sub3A_595, %add3A_598 : vector<16xf32>
        %mul3A_600 = arith.mulf %div3A_599, %div3A_599 : vector<16xf32>
        %mul3A_601 = arith.constant 0.142857149 : f32
        %mul3A_602 = vector.broadcast %mul3A_601 : f32 to vector<16xf32>
        %mul3A_603 = arith.mulf %mul3A_600, %mul3A_602 : vector<16xf32>
        %add3A_604 = arith.constant 2.000000e-01 : f32
        %add3A_605 = vector.broadcast %add3A_604 : f32 to vector<16xf32>
        %add3A_606 = arith.addf %add3A_605, %mul3A_603 : vector<16xf32>
        %mul3A_607 = arith.mulf %mul3A_600, %add3A_606 : vector<16xf32>
        %add3A_608 = arith.constant 0.333333343 : f32
        %add3A_609 = vector.broadcast %add3A_608 : f32 to vector<16xf32>
        %add3A_610 = arith.addf %add3A_609, %mul3A_607 : vector<16xf32>
        %mul3A_611 = arith.mulf %mul3A_600, %add3A_610 : vector<16xf32>
        %add3A_612 = arith.constant 1.000000e+00 : f32
        %add3A_613 = vector.broadcast %add3A_612 : f32 to vector<16xf32>
        %add3A_614 = arith.addf %add3A_613, %mul3A_611 : vector<16xf32>
        %mul3A_615 = arith.constant 0.693147182 : f32
        %mul3A_616 = vector.broadcast %mul3A_615 : f32 to vector<16xf32>
        %mul3A_617 = arith.mulf %convert_element_type3A_592, %mul3A_616 : vector<16xf32>
        %add3A_618 = arith.addf %div3A_599, %div3A_599 : vector<16xf32>
        %mul3A_619 = arith.mulf %add3A_618, %add3A_614 : vector<16xf32>
        %add3A_620 = arith.addf %mul3A_617, %mul3A_619 : vector<16xf32>
        %jit3A_621 = arith.constant -1.000000e+02 : f32
        %broadcast_in_dim3A_622 = vector.broadcast %jit3A_621 : f32 to vector<16xf32>
        %select_n3A_623 = arith.select %gt3A_579, %add3A_620, %broadcast_in_dim3A_622 : vector<16xi1>, vector<16xf32>
        %gt3A_624 = arith.constant 0.000000e+00 : f32
        %gt3A_625 = vector.broadcast %gt3A_624 : f32 to vector<16xf32>
        %gt3A_626 = arith.cmpf ogt, %sub3A_576, %gt3A_625 : vector<16xf32>
        %bitcast3A_627 = vector.bitcast %sub3A_576 : vector<16xf32> to vector<16xi32>
        %sub3A_628 = arith.constant 1060439283 : i32
        %sub3A_629 = vector.broadcast %sub3A_628 : i32 to vector<16xi32>
        %sub3A_630 = arith.subi %bitcast3A_627, %sub3A_629 : vector<16xi32>
        %shift_right_arithmetic3A_631 = arith.constant 23 : i32
        %shift_right_arithmetic3A_632 = vector.broadcast %shift_right_arithmetic3A_631 : i32 to vector<16xi32>
        %shift_right_arithmetic3A_633 = arith.shrsi %sub3A_630, %shift_right_arithmetic3A_632 : vector<16xi32>
        %shift_left3A_634 = arith.constant 23 : i32
        %shift_left3A_635 = vector.broadcast %shift_left3A_634 : i32 to vector<16xi32>
        %shift_left3A_636 = arith.shli %shift_right_arithmetic3A_633, %shift_left3A_635 : vector<16xi32>
        %sub3A_637 = arith.subi %bitcast3A_627, %shift_left3A_636 : vector<16xi32>
        %bitcast3A_638 = vector.bitcast %sub3A_637 : vector<16xi32> to vector<16xf32>
        %convert_element_type3A_639 = arith.sitofp %shift_right_arithmetic3A_633 : vector<16xi32> to vector<16xf32>
        %sub3A_640 = arith.constant 1.000000e+00 : f32
        %sub3A_641 = vector.broadcast %sub3A_640 : f32 to vector<16xf32>
        %sub3A_642 = arith.subf %bitcast3A_638, %sub3A_641 : vector<16xf32>
        %add3A_643 = arith.constant 1.000000e+00 : f32
        %add3A_644 = vector.broadcast %add3A_643 : f32 to vector<16xf32>
        %add3A_645 = arith.addf %bitcast3A_638, %add3A_644 : vector<16xf32>
        %div3A_646 = arith.divf %sub3A_642, %add3A_645 : vector<16xf32>
        %mul3A_647 = arith.mulf %div3A_646, %div3A_646 : vector<16xf32>
        %mul3A_648 = arith.constant 0.142857149 : f32
        %mul3A_649 = vector.broadcast %mul3A_648 : f32 to vector<16xf32>
        %mul3A_650 = arith.mulf %mul3A_647, %mul3A_649 : vector<16xf32>
        %add3A_651 = arith.constant 2.000000e-01 : f32
        %add3A_652 = vector.broadcast %add3A_651 : f32 to vector<16xf32>
        %add3A_653 = arith.addf %add3A_652, %mul3A_650 : vector<16xf32>
        %mul3A_654 = arith.mulf %mul3A_647, %add3A_653 : vector<16xf32>
        %add3A_655 = arith.constant 0.333333343 : f32
        %add3A_656 = vector.broadcast %add3A_655 : f32 to vector<16xf32>
        %add3A_657 = arith.addf %add3A_656, %mul3A_654 : vector<16xf32>
        %mul3A_658 = arith.mulf %mul3A_647, %add3A_657 : vector<16xf32>
        %add3A_659 = arith.constant 1.000000e+00 : f32
        %add3A_660 = vector.broadcast %add3A_659 : f32 to vector<16xf32>
        %add3A_661 = arith.addf %add3A_660, %mul3A_658 : vector<16xf32>
        %mul3A_662 = arith.constant 0.693147182 : f32
        %mul3A_663 = vector.broadcast %mul3A_662 : f32 to vector<16xf32>
        %mul3A_664 = arith.mulf %convert_element_type3A_639, %mul3A_663 : vector<16xf32>
        %add3A_665 = arith.addf %div3A_646, %div3A_646 : vector<16xf32>
        %mul3A_666 = arith.mulf %add3A_665, %add3A_661 : vector<16xf32>
        %add3A_667 = arith.addf %mul3A_664, %mul3A_666 : vector<16xf32>
        %jit3A_668 = arith.constant -1.000000e+02 : f32
        %broadcast_in_dim3A_669 = vector.broadcast %jit3A_668 : f32 to vector<16xf32>
        %select_n3A_670 = arith.select %gt3A_626, %add3A_667, %broadcast_in_dim3A_669 : vector<16xi1>, vector<16xf32>
        %sub3A_671 = arith.subf %select_n3A_670, %select_n3A_623 : vector<16xf32>
        %mul3A_672 = arith.mulf %get3A_573, %sub3A_671 : vector<16xf32>
        %sub3A_673 = arith.subf %mul3A_672, %select_n3A_670 : vector<16xf32>
        %sub3A_674 = arith.subf %get3A_569, %get3A_573 : vector<16xf32>
        %abs3A_675 = math.absf %sub3A_674 : vector<16xf32>
        %mul3A_676 = arith.constant 1.000000e+01 : f32
        %mul3A_677 = vector.broadcast %mul3A_676 : f32 to vector<16xf32>
        %mul3A_678 = arith.mulf %abs3A_675, %mul3A_677 : vector<16xf32>
        %convert_element_type3A_679 = arith.fptosi %mul3A_678 : vector<16xf32> to vector<16xi32>
        %min3A_680 = arith.constant 9 : i32
        %min3A_681 = vector.broadcast %min3A_680 : i32 to vector<16xi32>
        %min3A_682 = arith.minsi %convert_element_type3A_679, %min3A_681 : vector<16xi32>
        %shift_left3A_683 = arith.constant 4 : i32
        %shift_left3A_684 = vector.broadcast %shift_left3A_683 : i32 to vector<16xi32>
        %shift_left3A_685 = arith.shli %min3A_682, %shift_left3A_684 : vector<16xi32>
        %add3A_686 = arith.addi %shift_left3A_685, %iota3A : vector<16xi32>
        tpu.vector_store_idx %arg9[%add3A_686], %sub3A_673 {add = true} : memref<160xf32, #tpu.memory_space<vmem>>[vector<16xi32>], vector<16xf32>,
        tpu.vector_store_idx %arg10[%add3A_686], %broadcast_in_dim3A_5 {add = true} : memref<160xf32, #tpu.memory_space<vmem>>[vector<16xi32>], vector<16xf32>,
      }
      %scan3A_176 = arith.constant 1024 : i32
      %lt3A = arith.constant 15 : i32
      %lt3A_177 = arith.cmpi slt, %scan3A_140, %lt3A : i32
      %convert_element_type3A = arith.extui %lt3A_177 : i1 to i32
      %cond3A = arith.constant 0 : i32
      %cond3A_178 = arith.cmpi ne, %convert_element_type3A, %cond3A : i32
      scf.if %cond3A_178 {
        %mul3A_197 = arith.constant 2 : i32
        %mul3A_198 = arith.muli %mul3A_197, %scan3A_140 : i32
        %add3A_199 = arith.constant 2 : i32
        %add3A_200 = arith.addi %mul3A_198, %add3A_199 : i32
        %mul3A_201 = arith.constant 16384 : i32
        %mul3A_202 = arith.muli %add3A_200, %mul3A_201 : i32
        %add3A_203 = arith.addi %mul3A_2, %mul3A_202 : i32
        %dma_start3A_204 = arith.constant 0 : i32
        %dma_start3A_205 = tpu.memref_slice %arg7[%dma_start3A_204] : memref<32768xf32, #tpu.memory_space<vmem>> -> memref<16384xf32, #tpu.memory_space<vmem>>
        %dma_start3A_206 = tpu.memref_slice %arg2[%add3A_203] : memref<16777216xf32, #tpu.memory_space<hbm>> -> memref<16384xf32, #tpu.memory_space<hbm>>
        %dma_start3A_207 = arith.constant 0 : i32
        %dma_start3A_208 = tpu.memref_slice %arg7[%dma_start3A_207] : memref<32768xf32, #tpu.memory_space<vmem>> -> memref<16384xf32, #tpu.memory_space<vmem>>
        %dma_start3A_209 = tpu.memref_slice %arg2[%add3A_203] : memref<16777216xf32, #tpu.memory_space<hbm>> -> memref<16384xf32, #tpu.memory_space<hbm>>
        tpu.enqueue_dma source(%dma_start3A_209 : memref<16384xf32, #tpu.memory_space<hbm>>) target(%dma_start3A_208 : memref<16384xf32, #tpu.memory_space<vmem>>) target_semaphore(%arg12 : memref<!tpu.dma_semaphore, #tpu.memory_space<semaphore_mem>>)
        %dma_start3A_210 = arith.constant 0 : i32
        %dma_start3A_211 = tpu.memref_slice %arg8[%dma_start3A_210] : memref<32768xf32, #tpu.memory_space<vmem>> -> memref<16384xf32, #tpu.memory_space<vmem>>
        %dma_start3A_212 = tpu.memref_slice %arg3[%add3A_203] : memref<16777216xf32, #tpu.memory_space<hbm>> -> memref<16384xf32, #tpu.memory_space<hbm>>
        %dma_start3A_213 = arith.constant 0 : i32
        %dma_start3A_214 = tpu.memref_slice %arg8[%dma_start3A_213] : memref<32768xf32, #tpu.memory_space<vmem>> -> memref<16384xf32, #tpu.memory_space<vmem>>
        %dma_start3A_215 = tpu.memref_slice %arg3[%add3A_203] : memref<16777216xf32, #tpu.memory_space<hbm>> -> memref<16384xf32, #tpu.memory_space<hbm>>
        tpu.enqueue_dma source(%dma_start3A_215 : memref<16384xf32, #tpu.memory_space<hbm>>) target(%dma_start3A_214 : memref<16384xf32, #tpu.memory_space<vmem>>) target_semaphore(%arg14 : memref<!tpu.dma_semaphore, #tpu.memory_space<semaphore_mem>>)
      } else {
      }
      %dma_wait3A_179 = arith.constant 16384 : i32
      %dma_wait3A_180 = tpu.memref_slice %arg7[%dma_wait3A_179] : memref<32768xf32, #tpu.memory_space<vmem>> -> memref<16384xf32, #tpu.memory_space<vmem>>
      %dma_wait3A_181 = tpu.memref_slice %arg2[%add3A_147] : memref<16777216xf32, #tpu.memory_space<hbm>> -> memref<16384xf32, #tpu.memory_space<hbm>>
      %dma_wait3A_182 = arith.constant 16384 : i32
      %dma_wait3A_183 = tpu.memref_slice %arg7[%dma_wait3A_182] : memref<32768xf32, #tpu.memory_space<vmem>> -> memref<16384xf32, #tpu.memory_space<vmem>>
      %dma_wait3A_184 = tpu.memref_slice %arg2[%add3A_147] : memref<16777216xf32, #tpu.memory_space<hbm>> -> memref<16384xf32, #tpu.memory_space<hbm>>
      tpu.wait_dma2 semaphore(%arg13 : memref<!tpu.dma_semaphore, #tpu.memory_space<semaphore_mem>>) src(%dma_wait3A_184 : memref<16384xf32, #tpu.memory_space<hbm>>) dst(%dma_wait3A_183 : memref<16384xf32, #tpu.memory_space<vmem>>)
      %dma_wait3A_185 = arith.constant 16384 : i32
      %dma_wait3A_186 = tpu.memref_slice %arg8[%dma_wait3A_185] : memref<32768xf32, #tpu.memory_space<vmem>> -> memref<16384xf32, #tpu.memory_space<vmem>>
      %dma_wait3A_187 = tpu.memref_slice %arg3[%add3A_147] : memref<16777216xf32, #tpu.memory_space<hbm>> -> memref<16384xf32, #tpu.memory_space<hbm>>
      %dma_wait3A_188 = arith.constant 16384 : i32
      %dma_wait3A_189 = tpu.memref_slice %arg8[%dma_wait3A_188] : memref<32768xf32, #tpu.memory_space<vmem>> -> memref<16384xf32, #tpu.memory_space<vmem>>
      %dma_wait3A_190 = tpu.memref_slice %arg3[%add3A_147] : memref<16777216xf32, #tpu.memory_space<hbm>> -> memref<16384xf32, #tpu.memory_space<hbm>>
      tpu.wait_dma2 semaphore(%arg15 : memref<!tpu.dma_semaphore, #tpu.memory_space<semaphore_mem>>) src(%dma_wait3A_190 : memref<16384xf32, #tpu.memory_space<hbm>>) dst(%dma_wait3A_189 : memref<16384xf32, #tpu.memory_space<vmem>>)
      %scan3A_191 = arith.constant 0 : i32
      %scan3A_192 = arith.constant 0 : i32
      %scan3A_193 = arith.constant 1024 : i32
      %scan3A_194 = arith.addi %scan3A_192, %scan3A_193 : i32
      %scan3A_195 = arith.constant 4 : i32
      scf.for %scan3A_197 = %scan3A_192 to %scan3A_194 step %scan3A_195  : i32 {
        %shift_left3A = arith.constant 4 : i32
        %shift_left3A_198 = arith.shli %scan3A_197, %shift_left3A : i32
        %get3A_199 = arith.constant 16384 : i32
        %get3A_200 = tpu.memref_slice %arg7[%get3A_199] : memref<32768xf32, #tpu.memory_space<vmem>> -> memref<16384xf32, #tpu.memory_space<vmem>>
        %get3A_201 = arith.index_cast %shift_left3A_198 : i32 to index
        %get3A_202 = tpu.vector_load %get3A_200[%get3A_201] {strides = array<i32>} : memref<16384xf32, #tpu.memory_space<vmem>>, vector<16xf32>,
        %get3A_203 = arith.constant 16384 : i32
        %get3A_204 = tpu.memref_slice %arg8[%get3A_203] : memref<32768xf32, #tpu.memory_space<vmem>> -> memref<16384xf32, #tpu.memory_space<vmem>>
        %get3A_205 = arith.index_cast %shift_left3A_198 : i32 to index
        %get3A_206 = tpu.vector_load %get3A_204[%get3A_205] {strides = array<i32>} : memref<16384xf32, #tpu.memory_space<vmem>>, vector<16xf32>,
        %sub3A = arith.constant 1.000000e+00 : f32
        %sub3A_207 = vector.broadcast %sub3A : f32 to vector<16xf32>
        %sub3A_208 = arith.subf %sub3A_207, %get3A_202 : vector<16xf32>
        %gt3A = arith.constant 0.000000e+00 : f32
        %gt3A_209 = vector.broadcast %gt3A : f32 to vector<16xf32>
        %gt3A_210 = arith.cmpf ogt, %get3A_202, %gt3A_209 : vector<16xf32>
        %bitcast3A = vector.bitcast %get3A_202 : vector<16xf32> to vector<16xi32>
        %sub3A_211 = arith.constant 1060439283 : i32
        %sub3A_212 = vector.broadcast %sub3A_211 : i32 to vector<16xi32>
        %sub3A_213 = arith.subi %bitcast3A, %sub3A_212 : vector<16xi32>
        %shift_right_arithmetic3A = arith.constant 23 : i32
        %shift_right_arithmetic3A_214 = vector.broadcast %shift_right_arithmetic3A : i32 to vector<16xi32>
        %shift_right_arithmetic3A_215 = arith.shrsi %sub3A_213, %shift_right_arithmetic3A_214 : vector<16xi32>
        %shift_left3A_216 = arith.constant 23 : i32
        %shift_left3A_217 = vector.broadcast %shift_left3A_216 : i32 to vector<16xi32>
        %shift_left3A_218 = arith.shli %shift_right_arithmetic3A_215, %shift_left3A_217 : vector<16xi32>
        %sub3A_219 = arith.subi %bitcast3A, %shift_left3A_218 : vector<16xi32>
        %bitcast3A_220 = vector.bitcast %sub3A_219 : vector<16xi32> to vector<16xf32>
        %convert_element_type3A_221 = arith.sitofp %shift_right_arithmetic3A_215 : vector<16xi32> to vector<16xf32>
        %sub3A_222 = arith.constant 1.000000e+00 : f32
        %sub3A_223 = vector.broadcast %sub3A_222 : f32 to vector<16xf32>
        %sub3A_224 = arith.subf %bitcast3A_220, %sub3A_223 : vector<16xf32>
        %add3A_225 = arith.constant 1.000000e+00 : f32
        %add3A_226 = vector.broadcast %add3A_225 : f32 to vector<16xf32>
        %add3A_227 = arith.addf %bitcast3A_220, %add3A_226 : vector<16xf32>
        %div3A_228 = arith.divf %sub3A_224, %add3A_227 : vector<16xf32>
        %mul3A_229 = arith.mulf %div3A_228, %div3A_228 : vector<16xf32>
        %mul3A_230 = arith.constant 0.142857149 : f32
        %mul3A_231 = vector.broadcast %mul3A_230 : f32 to vector<16xf32>
        %mul3A_232 = arith.mulf %mul3A_229, %mul3A_231 : vector<16xf32>
        %add3A_233 = arith.constant 2.000000e-01 : f32
        %add3A_234 = vector.broadcast %add3A_233 : f32 to vector<16xf32>
        %add3A_235 = arith.addf %add3A_234, %mul3A_232 : vector<16xf32>
        %mul3A_236 = arith.mulf %mul3A_229, %add3A_235 : vector<16xf32>
        %add3A_237 = arith.constant 0.333333343 : f32
        %add3A_238 = vector.broadcast %add3A_237 : f32 to vector<16xf32>
        %add3A_239 = arith.addf %add3A_238, %mul3A_236 : vector<16xf32>
        %mul3A_240 = arith.mulf %mul3A_229, %add3A_239 : vector<16xf32>
        %add3A_241 = arith.constant 1.000000e+00 : f32
        %add3A_242 = vector.broadcast %add3A_241 : f32 to vector<16xf32>
        %add3A_243 = arith.addf %add3A_242, %mul3A_240 : vector<16xf32>
        %mul3A_244 = arith.constant 0.693147182 : f32
        %mul3A_245 = vector.broadcast %mul3A_244 : f32 to vector<16xf32>
        %mul3A_246 = arith.mulf %convert_element_type3A_221, %mul3A_245 : vector<16xf32>
        %add3A_247 = arith.addf %div3A_228, %div3A_228 : vector<16xf32>
        %mul3A_248 = arith.mulf %add3A_247, %add3A_243 : vector<16xf32>
        %add3A_249 = arith.addf %mul3A_246, %mul3A_248 : vector<16xf32>
        %jit3A = arith.constant -1.000000e+02 : f32
        %broadcast_in_dim3A_250 = vector.broadcast %jit3A : f32 to vector<16xf32>
        %select_n3A = arith.select %gt3A_210, %add3A_249, %broadcast_in_dim3A_250 : vector<16xi1>, vector<16xf32>
        %gt3A_251 = arith.constant 0.000000e+00 : f32
        %gt3A_252 = vector.broadcast %gt3A_251 : f32 to vector<16xf32>
        %gt3A_253 = arith.cmpf ogt, %sub3A_208, %gt3A_252 : vector<16xf32>
        %bitcast3A_254 = vector.bitcast %sub3A_208 : vector<16xf32> to vector<16xi32>
        %sub3A_255 = arith.constant 1060439283 : i32
        %sub3A_256 = vector.broadcast %sub3A_255 : i32 to vector<16xi32>
        %sub3A_257 = arith.subi %bitcast3A_254, %sub3A_256 : vector<16xi32>
        %shift_right_arithmetic3A_258 = arith.constant 23 : i32
        %shift_right_arithmetic3A_259 = vector.broadcast %shift_right_arithmetic3A_258 : i32 to vector<16xi32>
        %shift_right_arithmetic3A_260 = arith.shrsi %sub3A_257, %shift_right_arithmetic3A_259 : vector<16xi32>
        %shift_left3A_261 = arith.constant 23 : i32
        %shift_left3A_262 = vector.broadcast %shift_left3A_261 : i32 to vector<16xi32>
        %shift_left3A_263 = arith.shli %shift_right_arithmetic3A_260, %shift_left3A_262 : vector<16xi32>
        %sub3A_264 = arith.subi %bitcast3A_254, %shift_left3A_263 : vector<16xi32>
        %bitcast3A_265 = vector.bitcast %sub3A_264 : vector<16xi32> to vector<16xf32>
        %convert_element_type3A_266 = arith.sitofp %shift_right_arithmetic3A_260 : vector<16xi32> to vector<16xf32>
        %sub3A_267 = arith.constant 1.000000e+00 : f32
        %sub3A_268 = vector.broadcast %sub3A_267 : f32 to vector<16xf32>
        %sub3A_269 = arith.subf %bitcast3A_265, %sub3A_268 : vector<16xf32>
        %add3A_270 = arith.constant 1.000000e+00 : f32
        %add3A_271 = vector.broadcast %add3A_270 : f32 to vector<16xf32>
        %add3A_272 = arith.addf %bitcast3A_265, %add3A_271 : vector<16xf32>
        %div3A_273 = arith.divf %sub3A_269, %add3A_272 : vector<16xf32>
        %mul3A_274 = arith.mulf %div3A_273, %div3A_273 : vector<16xf32>
        %mul3A_275 = arith.constant 0.142857149 : f32
        %mul3A_276 = vector.broadcast %mul3A_275 : f32 to vector<16xf32>
        %mul3A_277 = arith.mulf %mul3A_274, %mul3A_276 : vector<16xf32>
        %add3A_278 = arith.constant 2.000000e-01 : f32
        %add3A_279 = vector.broadcast %add3A_278 : f32 to vector<16xf32>
        %add3A_280 = arith.addf %add3A_279, %mul3A_277 : vector<16xf32>
        %mul3A_281 = arith.mulf %mul3A_274, %add3A_280 : vector<16xf32>
        %add3A_282 = arith.constant 0.333333343 : f32
        %add3A_283 = vector.broadcast %add3A_282 : f32 to vector<16xf32>
        %add3A_284 = arith.addf %add3A_283, %mul3A_281 : vector<16xf32>
        %mul3A_285 = arith.mulf %mul3A_274, %add3A_284 : vector<16xf32>
        %add3A_286 = arith.constant 1.000000e+00 : f32
        %add3A_287 = vector.broadcast %add3A_286 : f32 to vector<16xf32>
        %add3A_288 = arith.addf %add3A_287, %mul3A_285 : vector<16xf32>
        %mul3A_289 = arith.constant 0.693147182 : f32
        %mul3A_290 = vector.broadcast %mul3A_289 : f32 to vector<16xf32>
        %mul3A_291 = arith.mulf %convert_element_type3A_266, %mul3A_290 : vector<16xf32>
        %add3A_292 = arith.addf %div3A_273, %div3A_273 : vector<16xf32>
        %mul3A_293 = arith.mulf %add3A_292, %add3A_288 : vector<16xf32>
        %add3A_294 = arith.addf %mul3A_291, %mul3A_293 : vector<16xf32>
        %jit3A_295 = arith.constant -1.000000e+02 : f32
        %broadcast_in_dim3A_296 = vector.broadcast %jit3A_295 : f32 to vector<16xf32>
        %select_n3A_297 = arith.select %gt3A_253, %add3A_294, %broadcast_in_dim3A_296 : vector<16xi1>, vector<16xf32>
        %sub3A_298 = arith.subf %select_n3A_297, %select_n3A : vector<16xf32>
        %mul3A_299 = arith.mulf %get3A_206, %sub3A_298 : vector<16xf32>
        %sub3A_300 = arith.subf %mul3A_299, %select_n3A_297 : vector<16xf32>
        %sub3A_301 = arith.subf %get3A_202, %get3A_206 : vector<16xf32>
        %abs3A = math.absf %sub3A_301 : vector<16xf32>
        %mul3A_302 = arith.constant 1.000000e+01 : f32
        %mul3A_303 = vector.broadcast %mul3A_302 : f32 to vector<16xf32>
        %mul3A_304 = arith.mulf %abs3A, %mul3A_303 : vector<16xf32>
        %convert_element_type3A_305 = arith.fptosi %mul3A_304 : vector<16xf32> to vector<16xi32>
        %min3A = arith.constant 9 : i32
        %min3A_306 = vector.broadcast %min3A : i32 to vector<16xi32>
        %min3A_307 = arith.minsi %convert_element_type3A_305, %min3A_306 : vector<16xi32>
        %shift_left3A_308 = arith.constant 4 : i32
        %shift_left3A_309 = vector.broadcast %shift_left3A_308 : i32 to vector<16xi32>
        %shift_left3A_310 = arith.shli %min3A_307, %shift_left3A_309 : vector<16xi32>
        %add3A_311 = arith.addi %shift_left3A_310, %iota3A : vector<16xi32>
        tpu.vector_store_idx %arg9[%add3A_311], %sub3A_300 {add = true} : memref<160xf32, #tpu.memory_space<vmem>>[vector<16xi32>], vector<16xf32>,
        tpu.vector_store_idx %arg10[%add3A_311], %broadcast_in_dim3A_5 {add = true} : memref<160xf32, #tpu.memory_space<vmem>>[vector<16xi32>], vector<16xf32>,
        %scan3A_312 = arith.constant 1 : i32
        %scan3A_313 = arith.addi %scan3A_197, %scan3A_312 : i32
        %shift_left3A_314 = arith.constant 4 : i32
        %shift_left3A_315 = arith.shli %scan3A_313, %shift_left3A_314 : i32
        %get3A_316 = arith.constant 16384 : i32
        %get3A_317 = tpu.memref_slice %arg7[%get3A_316] : memref<32768xf32, #tpu.memory_space<vmem>> -> memref<16384xf32, #tpu.memory_space<vmem>>
        %get3A_318 = arith.index_cast %shift_left3A_315 : i32 to index
        %get3A_319 = tpu.vector_load %get3A_317[%get3A_318] {strides = array<i32>} : memref<16384xf32, #tpu.memory_space<vmem>>, vector<16xf32>,
        %get3A_320 = arith.constant 16384 : i32
        %get3A_321 = tpu.memref_slice %arg8[%get3A_320] : memref<32768xf32, #tpu.memory_space<vmem>> -> memref<16384xf32, #tpu.memory_space<vmem>>
        %get3A_322 = arith.index_cast %shift_left3A_315 : i32 to index
        %get3A_323 = tpu.vector_load %get3A_321[%get3A_322] {strides = array<i32>} : memref<16384xf32, #tpu.memory_space<vmem>>, vector<16xf32>,
        %sub3A_324 = arith.constant 1.000000e+00 : f32
        %sub3A_325 = vector.broadcast %sub3A_324 : f32 to vector<16xf32>
        %sub3A_326 = arith.subf %sub3A_325, %get3A_319 : vector<16xf32>
        %gt3A_327 = arith.constant 0.000000e+00 : f32
        %gt3A_328 = vector.broadcast %gt3A_327 : f32 to vector<16xf32>
        %gt3A_329 = arith.cmpf ogt, %get3A_319, %gt3A_328 : vector<16xf32>
        %bitcast3A_330 = vector.bitcast %get3A_319 : vector<16xf32> to vector<16xi32>
        %sub3A_331 = arith.constant 1060439283 : i32
        %sub3A_332 = vector.broadcast %sub3A_331 : i32 to vector<16xi32>
        %sub3A_333 = arith.subi %bitcast3A_330, %sub3A_332 : vector<16xi32>
        %shift_right_arithmetic3A_334 = arith.constant 23 : i32
        %shift_right_arithmetic3A_335 = vector.broadcast %shift_right_arithmetic3A_334 : i32 to vector<16xi32>
        %shift_right_arithmetic3A_336 = arith.shrsi %sub3A_333, %shift_right_arithmetic3A_335 : vector<16xi32>
        %shift_left3A_337 = arith.constant 23 : i32
        %shift_left3A_338 = vector.broadcast %shift_left3A_337 : i32 to vector<16xi32>
        %shift_left3A_339 = arith.shli %shift_right_arithmetic3A_336, %shift_left3A_338 : vector<16xi32>
        %sub3A_340 = arith.subi %bitcast3A_330, %shift_left3A_339 : vector<16xi32>
        %bitcast3A_341 = vector.bitcast %sub3A_340 : vector<16xi32> to vector<16xf32>
        %convert_element_type3A_342 = arith.sitofp %shift_right_arithmetic3A_336 : vector<16xi32> to vector<16xf32>
        %sub3A_343 = arith.constant 1.000000e+00 : f32
        %sub3A_344 = vector.broadcast %sub3A_343 : f32 to vector<16xf32>
        %sub3A_345 = arith.subf %bitcast3A_341, %sub3A_344 : vector<16xf32>
        %add3A_346 = arith.constant 1.000000e+00 : f32
        %add3A_347 = vector.broadcast %add3A_346 : f32 to vector<16xf32>
        %add3A_348 = arith.addf %bitcast3A_341, %add3A_347 : vector<16xf32>
        %div3A_349 = arith.divf %sub3A_345, %add3A_348 : vector<16xf32>
        %mul3A_350 = arith.mulf %div3A_349, %div3A_349 : vector<16xf32>
        %mul3A_351 = arith.constant 0.142857149 : f32
        %mul3A_352 = vector.broadcast %mul3A_351 : f32 to vector<16xf32>
        %mul3A_353 = arith.mulf %mul3A_350, %mul3A_352 : vector<16xf32>
        %add3A_354 = arith.constant 2.000000e-01 : f32
        %add3A_355 = vector.broadcast %add3A_354 : f32 to vector<16xf32>
        %add3A_356 = arith.addf %add3A_355, %mul3A_353 : vector<16xf32>
        %mul3A_357 = arith.mulf %mul3A_350, %add3A_356 : vector<16xf32>
        %add3A_358 = arith.constant 0.333333343 : f32
        %add3A_359 = vector.broadcast %add3A_358 : f32 to vector<16xf32>
        %add3A_360 = arith.addf %add3A_359, %mul3A_357 : vector<16xf32>
        %mul3A_361 = arith.mulf %mul3A_350, %add3A_360 : vector<16xf32>
        %add3A_362 = arith.constant 1.000000e+00 : f32
        %add3A_363 = vector.broadcast %add3A_362 : f32 to vector<16xf32>
        %add3A_364 = arith.addf %add3A_363, %mul3A_361 : vector<16xf32>
        %mul3A_365 = arith.constant 0.693147182 : f32
        %mul3A_366 = vector.broadcast %mul3A_365 : f32 to vector<16xf32>
        %mul3A_367 = arith.mulf %convert_element_type3A_342, %mul3A_366 : vector<16xf32>
        %add3A_368 = arith.addf %div3A_349, %div3A_349 : vector<16xf32>
        %mul3A_369 = arith.mulf %add3A_368, %add3A_364 : vector<16xf32>
        %add3A_370 = arith.addf %mul3A_367, %mul3A_369 : vector<16xf32>
        %jit3A_371 = arith.constant -1.000000e+02 : f32
        %broadcast_in_dim3A_372 = vector.broadcast %jit3A_371 : f32 to vector<16xf32>
        %select_n3A_373 = arith.select %gt3A_329, %add3A_370, %broadcast_in_dim3A_372 : vector<16xi1>, vector<16xf32>
        %gt3A_374 = arith.constant 0.000000e+00 : f32
        %gt3A_375 = vector.broadcast %gt3A_374 : f32 to vector<16xf32>
        %gt3A_376 = arith.cmpf ogt, %sub3A_326, %gt3A_375 : vector<16xf32>
        %bitcast3A_377 = vector.bitcast %sub3A_326 : vector<16xf32> to vector<16xi32>
        %sub3A_378 = arith.constant 1060439283 : i32
        %sub3A_379 = vector.broadcast %sub3A_378 : i32 to vector<16xi32>
        %sub3A_380 = arith.subi %bitcast3A_377, %sub3A_379 : vector<16xi32>
        %shift_right_arithmetic3A_381 = arith.constant 23 : i32
        %shift_right_arithmetic3A_382 = vector.broadcast %shift_right_arithmetic3A_381 : i32 to vector<16xi32>
        %shift_right_arithmetic3A_383 = arith.shrsi %sub3A_380, %shift_right_arithmetic3A_382 : vector<16xi32>
        %shift_left3A_384 = arith.constant 23 : i32
        %shift_left3A_385 = vector.broadcast %shift_left3A_384 : i32 to vector<16xi32>
        %shift_left3A_386 = arith.shli %shift_right_arithmetic3A_383, %shift_left3A_385 : vector<16xi32>
        %sub3A_387 = arith.subi %bitcast3A_377, %shift_left3A_386 : vector<16xi32>
        %bitcast3A_388 = vector.bitcast %sub3A_387 : vector<16xi32> to vector<16xf32>
        %convert_element_type3A_389 = arith.sitofp %shift_right_arithmetic3A_383 : vector<16xi32> to vector<16xf32>
        %sub3A_390 = arith.constant 1.000000e+00 : f32
        %sub3A_391 = vector.broadcast %sub3A_390 : f32 to vector<16xf32>
        %sub3A_392 = arith.subf %bitcast3A_388, %sub3A_391 : vector<16xf32>
        %add3A_393 = arith.constant 1.000000e+00 : f32
        %add3A_394 = vector.broadcast %add3A_393 : f32 to vector<16xf32>
        %add3A_395 = arith.addf %bitcast3A_388, %add3A_394 : vector<16xf32>
        %div3A_396 = arith.divf %sub3A_392, %add3A_395 : vector<16xf32>
        %mul3A_397 = arith.mulf %div3A_396, %div3A_396 : vector<16xf32>
        %mul3A_398 = arith.constant 0.142857149 : f32
        %mul3A_399 = vector.broadcast %mul3A_398 : f32 to vector<16xf32>
        %mul3A_400 = arith.mulf %mul3A_397, %mul3A_399 : vector<16xf32>
        %add3A_401 = arith.constant 2.000000e-01 : f32
        %add3A_402 = vector.broadcast %add3A_401 : f32 to vector<16xf32>
        %add3A_403 = arith.addf %add3A_402, %mul3A_400 : vector<16xf32>
        %mul3A_404 = arith.mulf %mul3A_397, %add3A_403 : vector<16xf32>
        %add3A_405 = arith.constant 0.333333343 : f32
        %add3A_406 = vector.broadcast %add3A_405 : f32 to vector<16xf32>
        %add3A_407 = arith.addf %add3A_406, %mul3A_404 : vector<16xf32>
        %mul3A_408 = arith.mulf %mul3A_397, %add3A_407 : vector<16xf32>
        %add3A_409 = arith.constant 1.000000e+00 : f32
        %add3A_410 = vector.broadcast %add3A_409 : f32 to vector<16xf32>
        %add3A_411 = arith.addf %add3A_410, %mul3A_408 : vector<16xf32>
        %mul3A_412 = arith.constant 0.693147182 : f32
        %mul3A_413 = vector.broadcast %mul3A_412 : f32 to vector<16xf32>
        %mul3A_414 = arith.mulf %convert_element_type3A_389, %mul3A_413 : vector<16xf32>
        %add3A_415 = arith.addf %div3A_396, %div3A_396 : vector<16xf32>
        %mul3A_416 = arith.mulf %add3A_415, %add3A_411 : vector<16xf32>
        %add3A_417 = arith.addf %mul3A_414, %mul3A_416 : vector<16xf32>
        %jit3A_418 = arith.constant -1.000000e+02 : f32
        %broadcast_in_dim3A_419 = vector.broadcast %jit3A_418 : f32 to vector<16xf32>
        %select_n3A_420 = arith.select %gt3A_376, %add3A_417, %broadcast_in_dim3A_419 : vector<16xi1>, vector<16xf32>
        %sub3A_421 = arith.subf %select_n3A_420, %select_n3A_373 : vector<16xf32>
        %mul3A_422 = arith.mulf %get3A_323, %sub3A_421 : vector<16xf32>
        %sub3A_423 = arith.subf %mul3A_422, %select_n3A_420 : vector<16xf32>
        %sub3A_424 = arith.subf %get3A_319, %get3A_323 : vector<16xf32>
        %abs3A_425 = math.absf %sub3A_424 : vector<16xf32>
        %mul3A_426 = arith.constant 1.000000e+01 : f32
        %mul3A_427 = vector.broadcast %mul3A_426 : f32 to vector<16xf32>
        %mul3A_428 = arith.mulf %abs3A_425, %mul3A_427 : vector<16xf32>
        %convert_element_type3A_429 = arith.fptosi %mul3A_428 : vector<16xf32> to vector<16xi32>
        %min3A_430 = arith.constant 9 : i32
        %min3A_431 = vector.broadcast %min3A_430 : i32 to vector<16xi32>
        %min3A_432 = arith.minsi %convert_element_type3A_429, %min3A_431 : vector<16xi32>
        %shift_left3A_433 = arith.constant 4 : i32
        %shift_left3A_434 = vector.broadcast %shift_left3A_433 : i32 to vector<16xi32>
        %shift_left3A_435 = arith.shli %min3A_432, %shift_left3A_434 : vector<16xi32>
        %add3A_436 = arith.addi %shift_left3A_435, %iota3A : vector<16xi32>
        tpu.vector_store_idx %arg9[%add3A_436], %sub3A_423 {add = true} : memref<160xf32, #tpu.memory_space<vmem>>[vector<16xi32>], vector<16xf32>,
        tpu.vector_store_idx %arg10[%add3A_436], %broadcast_in_dim3A_5 {add = true} : memref<160xf32, #tpu.memory_space<vmem>>[vector<16xi32>], vector<16xf32>,
        %scan3A_437 = arith.constant 2 : i32
        %scan3A_438 = arith.addi %scan3A_197, %scan3A_437 : i32
        %shift_left3A_439 = arith.constant 4 : i32
        %shift_left3A_440 = arith.shli %scan3A_438, %shift_left3A_439 : i32
        %get3A_441 = arith.constant 16384 : i32
        %get3A_442 = tpu.memref_slice %arg7[%get3A_441] : memref<32768xf32, #tpu.memory_space<vmem>> -> memref<16384xf32, #tpu.memory_space<vmem>>
        %get3A_443 = arith.index_cast %shift_left3A_440 : i32 to index
        %get3A_444 = tpu.vector_load %get3A_442[%get3A_443] {strides = array<i32>} : memref<16384xf32, #tpu.memory_space<vmem>>, vector<16xf32>,
        %get3A_445 = arith.constant 16384 : i32
        %get3A_446 = tpu.memref_slice %arg8[%get3A_445] : memref<32768xf32, #tpu.memory_space<vmem>> -> memref<16384xf32, #tpu.memory_space<vmem>>
        %get3A_447 = arith.index_cast %shift_left3A_440 : i32 to index
        %get3A_448 = tpu.vector_load %get3A_446[%get3A_447] {strides = array<i32>} : memref<16384xf32, #tpu.memory_space<vmem>>, vector<16xf32>,
        %sub3A_449 = arith.constant 1.000000e+00 : f32
        %sub3A_450 = vector.broadcast %sub3A_449 : f32 to vector<16xf32>
        %sub3A_451 = arith.subf %sub3A_450, %get3A_444 : vector<16xf32>
        %gt3A_452 = arith.constant 0.000000e+00 : f32
        %gt3A_453 = vector.broadcast %gt3A_452 : f32 to vector<16xf32>
        %gt3A_454 = arith.cmpf ogt, %get3A_444, %gt3A_453 : vector<16xf32>
        %bitcast3A_455 = vector.bitcast %get3A_444 : vector<16xf32> to vector<16xi32>
        %sub3A_456 = arith.constant 1060439283 : i32
        %sub3A_457 = vector.broadcast %sub3A_456 : i32 to vector<16xi32>
        %sub3A_458 = arith.subi %bitcast3A_455, %sub3A_457 : vector<16xi32>
        %shift_right_arithmetic3A_459 = arith.constant 23 : i32
        %shift_right_arithmetic3A_460 = vector.broadcast %shift_right_arithmetic3A_459 : i32 to vector<16xi32>
        %shift_right_arithmetic3A_461 = arith.shrsi %sub3A_458, %shift_right_arithmetic3A_460 : vector<16xi32>
        %shift_left3A_462 = arith.constant 23 : i32
        %shift_left3A_463 = vector.broadcast %shift_left3A_462 : i32 to vector<16xi32>
        %shift_left3A_464 = arith.shli %shift_right_arithmetic3A_461, %shift_left3A_463 : vector<16xi32>
        %sub3A_465 = arith.subi %bitcast3A_455, %shift_left3A_464 : vector<16xi32>
        %bitcast3A_466 = vector.bitcast %sub3A_465 : vector<16xi32> to vector<16xf32>
        %convert_element_type3A_467 = arith.sitofp %shift_right_arithmetic3A_461 : vector<16xi32> to vector<16xf32>
        %sub3A_468 = arith.constant 1.000000e+00 : f32
        %sub3A_469 = vector.broadcast %sub3A_468 : f32 to vector<16xf32>
        %sub3A_470 = arith.subf %bitcast3A_466, %sub3A_469 : vector<16xf32>
        %add3A_471 = arith.constant 1.000000e+00 : f32
        %add3A_472 = vector.broadcast %add3A_471 : f32 to vector<16xf32>
        %add3A_473 = arith.addf %bitcast3A_466, %add3A_472 : vector<16xf32>
        %div3A_474 = arith.divf %sub3A_470, %add3A_473 : vector<16xf32>
        %mul3A_475 = arith.mulf %div3A_474, %div3A_474 : vector<16xf32>
        %mul3A_476 = arith.constant 0.142857149 : f32
        %mul3A_477 = vector.broadcast %mul3A_476 : f32 to vector<16xf32>
        %mul3A_478 = arith.mulf %mul3A_475, %mul3A_477 : vector<16xf32>
        %add3A_479 = arith.constant 2.000000e-01 : f32
        %add3A_480 = vector.broadcast %add3A_479 : f32 to vector<16xf32>
        %add3A_481 = arith.addf %add3A_480, %mul3A_478 : vector<16xf32>
        %mul3A_482 = arith.mulf %mul3A_475, %add3A_481 : vector<16xf32>
        %add3A_483 = arith.constant 0.333333343 : f32
        %add3A_484 = vector.broadcast %add3A_483 : f32 to vector<16xf32>
        %add3A_485 = arith.addf %add3A_484, %mul3A_482 : vector<16xf32>
        %mul3A_486 = arith.mulf %mul3A_475, %add3A_485 : vector<16xf32>
        %add3A_487 = arith.constant 1.000000e+00 : f32
        %add3A_488 = vector.broadcast %add3A_487 : f32 to vector<16xf32>
        %add3A_489 = arith.addf %add3A_488, %mul3A_486 : vector<16xf32>
        %mul3A_490 = arith.constant 0.693147182 : f32
        %mul3A_491 = vector.broadcast %mul3A_490 : f32 to vector<16xf32>
        %mul3A_492 = arith.mulf %convert_element_type3A_467, %mul3A_491 : vector<16xf32>
        %add3A_493 = arith.addf %div3A_474, %div3A_474 : vector<16xf32>
        %mul3A_494 = arith.mulf %add3A_493, %add3A_489 : vector<16xf32>
        %add3A_495 = arith.addf %mul3A_492, %mul3A_494 : vector<16xf32>
        %jit3A_496 = arith.constant -1.000000e+02 : f32
        %broadcast_in_dim3A_497 = vector.broadcast %jit3A_496 : f32 to vector<16xf32>
        %select_n3A_498 = arith.select %gt3A_454, %add3A_495, %broadcast_in_dim3A_497 : vector<16xi1>, vector<16xf32>
        %gt3A_499 = arith.constant 0.000000e+00 : f32
        %gt3A_500 = vector.broadcast %gt3A_499 : f32 to vector<16xf32>
        %gt3A_501 = arith.cmpf ogt, %sub3A_451, %gt3A_500 : vector<16xf32>
        %bitcast3A_502 = vector.bitcast %sub3A_451 : vector<16xf32> to vector<16xi32>
        %sub3A_503 = arith.constant 1060439283 : i32
        %sub3A_504 = vector.broadcast %sub3A_503 : i32 to vector<16xi32>
        %sub3A_505 = arith.subi %bitcast3A_502, %sub3A_504 : vector<16xi32>
        %shift_right_arithmetic3A_506 = arith.constant 23 : i32
        %shift_right_arithmetic3A_507 = vector.broadcast %shift_right_arithmetic3A_506 : i32 to vector<16xi32>
        %shift_right_arithmetic3A_508 = arith.shrsi %sub3A_505, %shift_right_arithmetic3A_507 : vector<16xi32>
        %shift_left3A_509 = arith.constant 23 : i32
        %shift_left3A_510 = vector.broadcast %shift_left3A_509 : i32 to vector<16xi32>
        %shift_left3A_511 = arith.shli %shift_right_arithmetic3A_508, %shift_left3A_510 : vector<16xi32>
        %sub3A_512 = arith.subi %bitcast3A_502, %shift_left3A_511 : vector<16xi32>
        %bitcast3A_513 = vector.bitcast %sub3A_512 : vector<16xi32> to vector<16xf32>
        %convert_element_type3A_514 = arith.sitofp %shift_right_arithmetic3A_508 : vector<16xi32> to vector<16xf32>
        %sub3A_515 = arith.constant 1.000000e+00 : f32
        %sub3A_516 = vector.broadcast %sub3A_515 : f32 to vector<16xf32>
        %sub3A_517 = arith.subf %bitcast3A_513, %sub3A_516 : vector<16xf32>
        %add3A_518 = arith.constant 1.000000e+00 : f32
        %add3A_519 = vector.broadcast %add3A_518 : f32 to vector<16xf32>
        %add3A_520 = arith.addf %bitcast3A_513, %add3A_519 : vector<16xf32>
        %div3A_521 = arith.divf %sub3A_517, %add3A_520 : vector<16xf32>
        %mul3A_522 = arith.mulf %div3A_521, %div3A_521 : vector<16xf32>
        %mul3A_523 = arith.constant 0.142857149 : f32
        %mul3A_524 = vector.broadcast %mul3A_523 : f32 to vector<16xf32>
        %mul3A_525 = arith.mulf %mul3A_522, %mul3A_524 : vector<16xf32>
        %add3A_526 = arith.constant 2.000000e-01 : f32
        %add3A_527 = vector.broadcast %add3A_526 : f32 to vector<16xf32>
        %add3A_528 = arith.addf %add3A_527, %mul3A_525 : vector<16xf32>
        %mul3A_529 = arith.mulf %mul3A_522, %add3A_528 : vector<16xf32>
        %add3A_530 = arith.constant 0.333333343 : f32
        %add3A_531 = vector.broadcast %add3A_530 : f32 to vector<16xf32>
        %add3A_532 = arith.addf %add3A_531, %mul3A_529 : vector<16xf32>
        %mul3A_533 = arith.mulf %mul3A_522, %add3A_532 : vector<16xf32>
        %add3A_534 = arith.constant 1.000000e+00 : f32
        %add3A_535 = vector.broadcast %add3A_534 : f32 to vector<16xf32>
        %add3A_536 = arith.addf %add3A_535, %mul3A_533 : vector<16xf32>
        %mul3A_537 = arith.constant 0.693147182 : f32
        %mul3A_538 = vector.broadcast %mul3A_537 : f32 to vector<16xf32>
        %mul3A_539 = arith.mulf %convert_element_type3A_514, %mul3A_538 : vector<16xf32>
        %add3A_540 = arith.addf %div3A_521, %div3A_521 : vector<16xf32>
        %mul3A_541 = arith.mulf %add3A_540, %add3A_536 : vector<16xf32>
        %add3A_542 = arith.addf %mul3A_539, %mul3A_541 : vector<16xf32>
        %jit3A_543 = arith.constant -1.000000e+02 : f32
        %broadcast_in_dim3A_544 = vector.broadcast %jit3A_543 : f32 to vector<16xf32>
        %select_n3A_545 = arith.select %gt3A_501, %add3A_542, %broadcast_in_dim3A_544 : vector<16xi1>, vector<16xf32>
        %sub3A_546 = arith.subf %select_n3A_545, %select_n3A_498 : vector<16xf32>
        %mul3A_547 = arith.mulf %get3A_448, %sub3A_546 : vector<16xf32>
        %sub3A_548 = arith.subf %mul3A_547, %select_n3A_545 : vector<16xf32>
        %sub3A_549 = arith.subf %get3A_444, %get3A_448 : vector<16xf32>
        %abs3A_550 = math.absf %sub3A_549 : vector<16xf32>
        %mul3A_551 = arith.constant 1.000000e+01 : f32
        %mul3A_552 = vector.broadcast %mul3A_551 : f32 to vector<16xf32>
        %mul3A_553 = arith.mulf %abs3A_550, %mul3A_552 : vector<16xf32>
        %convert_element_type3A_554 = arith.fptosi %mul3A_553 : vector<16xf32> to vector<16xi32>
        %min3A_555 = arith.constant 9 : i32
        %min3A_556 = vector.broadcast %min3A_555 : i32 to vector<16xi32>
        %min3A_557 = arith.minsi %convert_element_type3A_554, %min3A_556 : vector<16xi32>
        %shift_left3A_558 = arith.constant 4 : i32
        %shift_left3A_559 = vector.broadcast %shift_left3A_558 : i32 to vector<16xi32>
        %shift_left3A_560 = arith.shli %min3A_557, %shift_left3A_559 : vector<16xi32>
        %add3A_561 = arith.addi %shift_left3A_560, %iota3A : vector<16xi32>
        tpu.vector_store_idx %arg9[%add3A_561], %sub3A_548 {add = true} : memref<160xf32, #tpu.memory_space<vmem>>[vector<16xi32>], vector<16xf32>,
        tpu.vector_store_idx %arg10[%add3A_561], %broadcast_in_dim3A_5 {add = true} : memref<160xf32, #tpu.memory_space<vmem>>[vector<16xi32>], vector<16xf32>,
        %scan3A_562 = arith.constant 3 : i32
        %scan3A_563 = arith.addi %scan3A_197, %scan3A_562 : i32
        %shift_left3A_564 = arith.constant 4 : i32
        %shift_left3A_565 = arith.shli %scan3A_563, %shift_left3A_564 : i32
        %get3A_566 = arith.constant 16384 : i32
        %get3A_567 = tpu.memref_slice %arg7[%get3A_566] : memref<32768xf32, #tpu.memory_space<vmem>> -> memref<16384xf32, #tpu.memory_space<vmem>>
        %get3A_568 = arith.index_cast %shift_left3A_565 : i32 to index
        %get3A_569 = tpu.vector_load %get3A_567[%get3A_568] {strides = array<i32>} : memref<16384xf32, #tpu.memory_space<vmem>>, vector<16xf32>,
        %get3A_570 = arith.constant 16384 : i32
        %get3A_571 = tpu.memref_slice %arg8[%get3A_570] : memref<32768xf32, #tpu.memory_space<vmem>> -> memref<16384xf32, #tpu.memory_space<vmem>>
        %get3A_572 = arith.index_cast %shift_left3A_565 : i32 to index
        %get3A_573 = tpu.vector_load %get3A_571[%get3A_572] {strides = array<i32>} : memref<16384xf32, #tpu.memory_space<vmem>>, vector<16xf32>,
        %sub3A_574 = arith.constant 1.000000e+00 : f32
        %sub3A_575 = vector.broadcast %sub3A_574 : f32 to vector<16xf32>
        %sub3A_576 = arith.subf %sub3A_575, %get3A_569 : vector<16xf32>
        %gt3A_577 = arith.constant 0.000000e+00 : f32
        %gt3A_578 = vector.broadcast %gt3A_577 : f32 to vector<16xf32>
        %gt3A_579 = arith.cmpf ogt, %get3A_569, %gt3A_578 : vector<16xf32>
        %bitcast3A_580 = vector.bitcast %get3A_569 : vector<16xf32> to vector<16xi32>
        %sub3A_581 = arith.constant 1060439283 : i32
        %sub3A_582 = vector.broadcast %sub3A_581 : i32 to vector<16xi32>
        %sub3A_583 = arith.subi %bitcast3A_580, %sub3A_582 : vector<16xi32>
        %shift_right_arithmetic3A_584 = arith.constant 23 : i32
        %shift_right_arithmetic3A_585 = vector.broadcast %shift_right_arithmetic3A_584 : i32 to vector<16xi32>
        %shift_right_arithmetic3A_586 = arith.shrsi %sub3A_583, %shift_right_arithmetic3A_585 : vector<16xi32>
        %shift_left3A_587 = arith.constant 23 : i32
        %shift_left3A_588 = vector.broadcast %shift_left3A_587 : i32 to vector<16xi32>
        %shift_left3A_589 = arith.shli %shift_right_arithmetic3A_586, %shift_left3A_588 : vector<16xi32>
        %sub3A_590 = arith.subi %bitcast3A_580, %shift_left3A_589 : vector<16xi32>
        %bitcast3A_591 = vector.bitcast %sub3A_590 : vector<16xi32> to vector<16xf32>
        %convert_element_type3A_592 = arith.sitofp %shift_right_arithmetic3A_586 : vector<16xi32> to vector<16xf32>
        %sub3A_593 = arith.constant 1.000000e+00 : f32
        %sub3A_594 = vector.broadcast %sub3A_593 : f32 to vector<16xf32>
        %sub3A_595 = arith.subf %bitcast3A_591, %sub3A_594 : vector<16xf32>
        %add3A_596 = arith.constant 1.000000e+00 : f32
        %add3A_597 = vector.broadcast %add3A_596 : f32 to vector<16xf32>
        %add3A_598 = arith.addf %bitcast3A_591, %add3A_597 : vector<16xf32>
        %div3A_599 = arith.divf %sub3A_595, %add3A_598 : vector<16xf32>
        %mul3A_600 = arith.mulf %div3A_599, %div3A_599 : vector<16xf32>
        %mul3A_601 = arith.constant 0.142857149 : f32
        %mul3A_602 = vector.broadcast %mul3A_601 : f32 to vector<16xf32>
        %mul3A_603 = arith.mulf %mul3A_600, %mul3A_602 : vector<16xf32>
        %add3A_604 = arith.constant 2.000000e-01 : f32
        %add3A_605 = vector.broadcast %add3A_604 : f32 to vector<16xf32>
        %add3A_606 = arith.addf %add3A_605, %mul3A_603 : vector<16xf32>
        %mul3A_607 = arith.mulf %mul3A_600, %add3A_606 : vector<16xf32>
        %add3A_608 = arith.constant 0.333333343 : f32
        %add3A_609 = vector.broadcast %add3A_608 : f32 to vector<16xf32>
        %add3A_610 = arith.addf %add3A_609, %mul3A_607 : vector<16xf32>
        %mul3A_611 = arith.mulf %mul3A_600, %add3A_610 : vector<16xf32>
        %add3A_612 = arith.constant 1.000000e+00 : f32
        %add3A_613 = vector.broadcast %add3A_612 : f32 to vector<16xf32>
        %add3A_614 = arith.addf %add3A_613, %mul3A_611 : vector<16xf32>
        %mul3A_615 = arith.constant 0.693147182 : f32
        %mul3A_616 = vector.broadcast %mul3A_615 : f32 to vector<16xf32>
        %mul3A_617 = arith.mulf %convert_element_type3A_592, %mul3A_616 : vector<16xf32>
        %add3A_618 = arith.addf %div3A_599, %div3A_599 : vector<16xf32>
        %mul3A_619 = arith.mulf %add3A_618, %add3A_614 : vector<16xf32>
        %add3A_620 = arith.addf %mul3A_617, %mul3A_619 : vector<16xf32>
        %jit3A_621 = arith.constant -1.000000e+02 : f32
        %broadcast_in_dim3A_622 = vector.broadcast %jit3A_621 : f32 to vector<16xf32>
        %select_n3A_623 = arith.select %gt3A_579, %add3A_620, %broadcast_in_dim3A_622 : vector<16xi1>, vector<16xf32>
        %gt3A_624 = arith.constant 0.000000e+00 : f32
        %gt3A_625 = vector.broadcast %gt3A_624 : f32 to vector<16xf32>
        %gt3A_626 = arith.cmpf ogt, %sub3A_576, %gt3A_625 : vector<16xf32>
        %bitcast3A_627 = vector.bitcast %sub3A_576 : vector<16xf32> to vector<16xi32>
        %sub3A_628 = arith.constant 1060439283 : i32
        %sub3A_629 = vector.broadcast %sub3A_628 : i32 to vector<16xi32>
        %sub3A_630 = arith.subi %bitcast3A_627, %sub3A_629 : vector<16xi32>
        %shift_right_arithmetic3A_631 = arith.constant 23 : i32
        %shift_right_arithmetic3A_632 = vector.broadcast %shift_right_arithmetic3A_631 : i32 to vector<16xi32>
        %shift_right_arithmetic3A_633 = arith.shrsi %sub3A_630, %shift_right_arithmetic3A_632 : vector<16xi32>
        %shift_left3A_634 = arith.constant 23 : i32
        %shift_left3A_635 = vector.broadcast %shift_left3A_634 : i32 to vector<16xi32>
        %shift_left3A_636 = arith.shli %shift_right_arithmetic3A_633, %shift_left3A_635 : vector<16xi32>
        %sub3A_637 = arith.subi %bitcast3A_627, %shift_left3A_636 : vector<16xi32>
        %bitcast3A_638 = vector.bitcast %sub3A_637 : vector<16xi32> to vector<16xf32>
        %convert_element_type3A_639 = arith.sitofp %shift_right_arithmetic3A_633 : vector<16xi32> to vector<16xf32>
        %sub3A_640 = arith.constant 1.000000e+00 : f32
        %sub3A_641 = vector.broadcast %sub3A_640 : f32 to vector<16xf32>
        %sub3A_642 = arith.subf %bitcast3A_638, %sub3A_641 : vector<16xf32>
        %add3A_643 = arith.constant 1.000000e+00 : f32
        %add3A_644 = vector.broadcast %add3A_643 : f32 to vector<16xf32>
        %add3A_645 = arith.addf %bitcast3A_638, %add3A_644 : vector<16xf32>
        %div3A_646 = arith.divf %sub3A_642, %add3A_645 : vector<16xf32>
        %mul3A_647 = arith.mulf %div3A_646, %div3A_646 : vector<16xf32>
        %mul3A_648 = arith.constant 0.142857149 : f32
        %mul3A_649 = vector.broadcast %mul3A_648 : f32 to vector<16xf32>
        %mul3A_650 = arith.mulf %mul3A_647, %mul3A_649 : vector<16xf32>
        %add3A_651 = arith.constant 2.000000e-01 : f32
        %add3A_652 = vector.broadcast %add3A_651 : f32 to vector<16xf32>
        %add3A_653 = arith.addf %add3A_652, %mul3A_650 : vector<16xf32>
        %mul3A_654 = arith.mulf %mul3A_647, %add3A_653 : vector<16xf32>
        %add3A_655 = arith.constant 0.333333343 : f32
        %add3A_656 = vector.broadcast %add3A_655 : f32 to vector<16xf32>
        %add3A_657 = arith.addf %add3A_656, %mul3A_654 : vector<16xf32>
        %mul3A_658 = arith.mulf %mul3A_647, %add3A_657 : vector<16xf32>
        %add3A_659 = arith.constant 1.000000e+00 : f32
        %add3A_660 = vector.broadcast %add3A_659 : f32 to vector<16xf32>
        %add3A_661 = arith.addf %add3A_660, %mul3A_658 : vector<16xf32>
        %mul3A_662 = arith.constant 0.693147182 : f32
        %mul3A_663 = vector.broadcast %mul3A_662 : f32 to vector<16xf32>
        %mul3A_664 = arith.mulf %convert_element_type3A_639, %mul3A_663 : vector<16xf32>
        %add3A_665 = arith.addf %div3A_646, %div3A_646 : vector<16xf32>
        %mul3A_666 = arith.mulf %add3A_665, %add3A_661 : vector<16xf32>
        %add3A_667 = arith.addf %mul3A_664, %mul3A_666 : vector<16xf32>
        %jit3A_668 = arith.constant -1.000000e+02 : f32
        %broadcast_in_dim3A_669 = vector.broadcast %jit3A_668 : f32 to vector<16xf32>
        %select_n3A_670 = arith.select %gt3A_626, %add3A_667, %broadcast_in_dim3A_669 : vector<16xi1>, vector<16xf32>
        %sub3A_671 = arith.subf %select_n3A_670, %select_n3A_623 : vector<16xf32>
        %mul3A_672 = arith.mulf %get3A_573, %sub3A_671 : vector<16xf32>
        %sub3A_673 = arith.subf %mul3A_672, %select_n3A_670 : vector<16xf32>
        %sub3A_674 = arith.subf %get3A_569, %get3A_573 : vector<16xf32>
        %abs3A_675 = math.absf %sub3A_674 : vector<16xf32>
        %mul3A_676 = arith.constant 1.000000e+01 : f32
        %mul3A_677 = vector.broadcast %mul3A_676 : f32 to vector<16xf32>
        %mul3A_678 = arith.mulf %abs3A_675, %mul3A_677 : vector<16xf32>
        %convert_element_type3A_679 = arith.fptosi %mul3A_678 : vector<16xf32> to vector<16xi32>
        %min3A_680 = arith.constant 9 : i32
        %min3A_681 = vector.broadcast %min3A_680 : i32 to vector<16xi32>
        %min3A_682 = arith.minsi %convert_element_type3A_679, %min3A_681 : vector<16xi32>
        %shift_left3A_683 = arith.constant 4 : i32
        %shift_left3A_684 = vector.broadcast %shift_left3A_683 : i32 to vector<16xi32>
        %shift_left3A_685 = arith.shli %min3A_682, %shift_left3A_684 : vector<16xi32>
        %add3A_686 = arith.addi %shift_left3A_685, %iota3A : vector<16xi32>
        tpu.vector_store_idx %arg9[%add3A_686], %sub3A_673 {add = true} : memref<160xf32, #tpu.memory_space<vmem>>[vector<16xi32>], vector<16xf32>,
        tpu.vector_store_idx %arg10[%add3A_686], %broadcast_in_dim3A_5 {add = true} : memref<160xf32, #tpu.memory_space<vmem>>[vector<16xi32>], vector<16xf32>,
      }
      %scan3A_196 = arith.constant 1024 : i32
    }
    %scan3A_68 = arith.constant 16 : i32
    %broadcast_in_dim3A_69 = arith.constant 0 : i32
    %broadcast_in_dim3A_70 = vector.broadcast %broadcast_in_dim3A_69 : i32 to vector<16xi32>
    %gather3A = tpu.vector_load_idx %arg11[%broadcast_in_dim3A_70] : memref<16xf32, #tpu.memory_space<vmem>>[vector<16xi32>], vector<16xf32>,
    %get3A_71 = arith.constant 0 : index
    %get3A_72 = tpu.vector_load %arg9[%get3A_71] {strides = array<i32>} : memref<160xf32, #tpu.memory_space<vmem>>, vector<16xf32>,
    %mul3A_73 = arith.mulf %gather3A, %get3A_72 : vector<16xf32>
    %add3A_74 = arith.addf %broadcast_in_dim3A_3, %mul3A_73 : vector<16xf32>
    %broadcast_in_dim3A_75 = arith.constant 1 : i32
    %broadcast_in_dim3A_76 = vector.broadcast %broadcast_in_dim3A_75 : i32 to vector<16xi32>
    %gather3A_77 = tpu.vector_load_idx %arg11[%broadcast_in_dim3A_76] : memref<16xf32, #tpu.memory_space<vmem>>[vector<16xi32>], vector<16xf32>,
    %get3A_78 = arith.constant 16 : index
    %get3A_79 = tpu.vector_load %arg9[%get3A_78] {strides = array<i32>} : memref<160xf32, #tpu.memory_space<vmem>>, vector<16xf32>,
    %mul3A_80 = arith.mulf %gather3A_77, %get3A_79 : vector<16xf32>
    %add3A_81 = arith.addf %add3A_74, %mul3A_80 : vector<16xf32>
    %broadcast_in_dim3A_82 = arith.constant 2 : i32
    %broadcast_in_dim3A_83 = vector.broadcast %broadcast_in_dim3A_82 : i32 to vector<16xi32>
    %gather3A_84 = tpu.vector_load_idx %arg11[%broadcast_in_dim3A_83] : memref<16xf32, #tpu.memory_space<vmem>>[vector<16xi32>], vector<16xf32>,
    %get3A_85 = arith.constant 32 : index
    %get3A_86 = tpu.vector_load %arg9[%get3A_85] {strides = array<i32>} : memref<160xf32, #tpu.memory_space<vmem>>, vector<16xf32>,
    %mul3A_87 = arith.mulf %gather3A_84, %get3A_86 : vector<16xf32>
    %add3A_88 = arith.addf %add3A_81, %mul3A_87 : vector<16xf32>
    %broadcast_in_dim3A_89 = arith.constant 3 : i32
    %broadcast_in_dim3A_90 = vector.broadcast %broadcast_in_dim3A_89 : i32 to vector<16xi32>
    %gather3A_91 = tpu.vector_load_idx %arg11[%broadcast_in_dim3A_90] : memref<16xf32, #tpu.memory_space<vmem>>[vector<16xi32>], vector<16xf32>,
    %get3A_92 = arith.constant 48 : index
    %get3A_93 = tpu.vector_load %arg9[%get3A_92] {strides = array<i32>} : memref<160xf32, #tpu.memory_space<vmem>>, vector<16xf32>,
    %mul3A_94 = arith.mulf %gather3A_91, %get3A_93 : vector<16xf32>
    %add3A_95 = arith.addf %add3A_88, %mul3A_94 : vector<16xf32>
    %broadcast_in_dim3A_96 = arith.constant 4 : i32
    %broadcast_in_dim3A_97 = vector.broadcast %broadcast_in_dim3A_96 : i32 to vector<16xi32>
    %gather3A_98 = tpu.vector_load_idx %arg11[%broadcast_in_dim3A_97] : memref<16xf32, #tpu.memory_space<vmem>>[vector<16xi32>], vector<16xf32>,
    %get3A_99 = arith.constant 64 : index
    %get3A_100 = tpu.vector_load %arg9[%get3A_99] {strides = array<i32>} : memref<160xf32, #tpu.memory_space<vmem>>, vector<16xf32>,
    %mul3A_101 = arith.mulf %gather3A_98, %get3A_100 : vector<16xf32>
    %add3A_102 = arith.addf %add3A_95, %mul3A_101 : vector<16xf32>
    %broadcast_in_dim3A_103 = arith.constant 5 : i32
    %broadcast_in_dim3A_104 = vector.broadcast %broadcast_in_dim3A_103 : i32 to vector<16xi32>
    %gather3A_105 = tpu.vector_load_idx %arg11[%broadcast_in_dim3A_104] : memref<16xf32, #tpu.memory_space<vmem>>[vector<16xi32>], vector<16xf32>,
    %get3A_106 = arith.constant 80 : index
    %get3A_107 = tpu.vector_load %arg9[%get3A_106] {strides = array<i32>} : memref<160xf32, #tpu.memory_space<vmem>>, vector<16xf32>,
    %mul3A_108 = arith.mulf %gather3A_105, %get3A_107 : vector<16xf32>
    %add3A_109 = arith.addf %add3A_102, %mul3A_108 : vector<16xf32>
    %broadcast_in_dim3A_110 = arith.constant 6 : i32
    %broadcast_in_dim3A_111 = vector.broadcast %broadcast_in_dim3A_110 : i32 to vector<16xi32>
    %gather3A_112 = tpu.vector_load_idx %arg11[%broadcast_in_dim3A_111] : memref<16xf32, #tpu.memory_space<vmem>>[vector<16xi32>], vector<16xf32>,
    %get3A_113 = arith.constant 96 : index
    %get3A_114 = tpu.vector_load %arg9[%get3A_113] {strides = array<i32>} : memref<160xf32, #tpu.memory_space<vmem>>, vector<16xf32>,
    %mul3A_115 = arith.mulf %gather3A_112, %get3A_114 : vector<16xf32>
    %add3A_116 = arith.addf %add3A_109, %mul3A_115 : vector<16xf32>
    %broadcast_in_dim3A_117 = arith.constant 7 : i32
    %broadcast_in_dim3A_118 = vector.broadcast %broadcast_in_dim3A_117 : i32 to vector<16xi32>
    %gather3A_119 = tpu.vector_load_idx %arg11[%broadcast_in_dim3A_118] : memref<16xf32, #tpu.memory_space<vmem>>[vector<16xi32>], vector<16xf32>,
    %get3A_120 = arith.constant 112 : index
    %get3A_121 = tpu.vector_load %arg9[%get3A_120] {strides = array<i32>} : memref<160xf32, #tpu.memory_space<vmem>>, vector<16xf32>,
    %mul3A_122 = arith.mulf %gather3A_119, %get3A_121 : vector<16xf32>
    %add3A_123 = arith.addf %add3A_116, %mul3A_122 : vector<16xf32>
    %broadcast_in_dim3A_124 = arith.constant 8 : i32
    %broadcast_in_dim3A_125 = vector.broadcast %broadcast_in_dim3A_124 : i32 to vector<16xi32>
    %gather3A_126 = tpu.vector_load_idx %arg11[%broadcast_in_dim3A_125] : memref<16xf32, #tpu.memory_space<vmem>>[vector<16xi32>], vector<16xf32>,
    %get3A_127 = arith.constant 128 : index
    %get3A_128 = tpu.vector_load %arg9[%get3A_127] {strides = array<i32>} : memref<160xf32, #tpu.memory_space<vmem>>, vector<16xf32>,
    %mul3A_129 = arith.mulf %gather3A_126, %get3A_128 : vector<16xf32>
    %add3A_130 = arith.addf %add3A_123, %mul3A_129 : vector<16xf32>
    %broadcast_in_dim3A_131 = arith.constant 9 : i32
    %broadcast_in_dim3A_132 = vector.broadcast %broadcast_in_dim3A_131 : i32 to vector<16xi32>
    %gather3A_133 = tpu.vector_load_idx %arg11[%broadcast_in_dim3A_132] : memref<16xf32, #tpu.memory_space<vmem>>[vector<16xi32>], vector<16xf32>,
    %get3A_134 = arith.constant 144 : index
    %get3A_135 = tpu.vector_load %arg9[%get3A_134] {strides = array<i32>} : memref<160xf32, #tpu.memory_space<vmem>>, vector<16xf32>,
    %mul3A_136 = arith.mulf %gather3A_133, %get3A_135 : vector<16xf32>
    %add3A_137 = arith.addf %add3A_130, %mul3A_136 : vector<16xf32>
    %swap3A_138 = arith.constant 0 : index
    %swap3A_139 = tpu.vector_load %arg11[%swap3A_138] {strides = array<i32>} : memref<16xf32, #tpu.memory_space<vmem>>, vector<16xf32>,
    tpu.vector_store %arg11[%swap3A_138], %add3A_137 {strides = array<i32>} : memref<16xf32, #tpu.memory_space<vmem>>, vector<16xf32>,
    "tpu.region"() ({
      %run_scoped3A = tpu.sem_alloc : memref<!tpu.dma_semaphore, #tpu.memory_space<semaphore_mem>>
      %dma_start3A_140 = arith.constant 0 : i32
      %dma_start3A_141 = tpu.memref_slice %arg5[%add3A, %dma_start3A_140] : memref<32x16xf32, #tpu.memory_space<hbm>> -> memref<1x16xf32, #tpu.memory_space<hbm>>
      %dma_start3A_142 = tpu.memref_squeeze %dma_start3A_141 : memref<1x16xf32, #tpu.memory_space<hbm>> -> memref<16xf32, #tpu.memory_space<hbm>>
      %dma_start3A_143 = arith.constant 0 : i32
      %dma_start3A_144 = tpu.memref_slice %arg5[%add3A, %dma_start3A_143] : memref<32x16xf32, #tpu.memory_space<hbm>> -> memref<1x16xf32, #tpu.memory_space<hbm>>
      %dma_start3A_145 = tpu.memref_squeeze %dma_start3A_144 : memref<1x16xf32, #tpu.memory_space<hbm>> -> memref<16xf32, #tpu.memory_space<hbm>>
      tpu.enqueue_dma source(%arg11 : memref<16xf32, #tpu.memory_space<vmem>>) target(%dma_start3A_145 : memref<16xf32, #tpu.memory_space<hbm>>) target_semaphore(%run_scoped3A : memref<!tpu.dma_semaphore, #tpu.memory_space<semaphore_mem>>)
      %dma_wait3A = arith.constant 0 : i32
      %dma_wait3A_146 = tpu.memref_slice %arg5[%add3A, %dma_wait3A] : memref<32x16xf32, #tpu.memory_space<hbm>> -> memref<1x16xf32, #tpu.memory_space<hbm>>
      %dma_wait3A_147 = tpu.memref_squeeze %dma_wait3A_146 : memref<1x16xf32, #tpu.memory_space<hbm>> -> memref<16xf32, #tpu.memory_space<hbm>>
      %dma_wait3A_148 = arith.constant 0 : i32
      %dma_wait3A_149 = tpu.memref_slice %arg5[%add3A, %dma_wait3A_148] : memref<32x16xf32, #tpu.memory_space<hbm>> -> memref<1x16xf32, #tpu.memory_space<hbm>>
      %dma_wait3A_150 = tpu.memref_squeeze %dma_wait3A_149 : memref<1x16xf32, #tpu.memory_space<hbm>> -> memref<16xf32, #tpu.memory_space<hbm>>
      tpu.wait_dma2 semaphore(%run_scoped3A : memref<!tpu.dma_semaphore, #tpu.memory_space<semaphore_mem>>) src(%arg11 : memref<16xf32, #tpu.memory_space<vmem>>) dst(%dma_wait3A_150 : memref<16xf32, #tpu.memory_space<hbm>>)
      tpu.yield
    }) : () -> ()
    "tpu.region"() ({
      %run_scoped3A = tpu.sem_alloc : memref<!tpu.dma_semaphore, #tpu.memory_space<semaphore_mem>>
      %dma_start3A_140 = arith.constant 0 : i32
      %dma_start3A_141 = tpu.memref_slice %arg6[%add3A, %dma_start3A_140] : memref<32x160xf32, #tpu.memory_space<hbm>> -> memref<1x160xf32, #tpu.memory_space<hbm>>
      %dma_start3A_142 = tpu.memref_squeeze %dma_start3A_141 : memref<1x160xf32, #tpu.memory_space<hbm>> -> memref<160xf32, #tpu.memory_space<hbm>>
      %dma_start3A_143 = arith.constant 0 : i32
      %dma_start3A_144 = tpu.memref_slice %arg6[%add3A, %dma_start3A_143] : memref<32x160xf32, #tpu.memory_space<hbm>> -> memref<1x160xf32, #tpu.memory_space<hbm>>
      %dma_start3A_145 = tpu.memref_squeeze %dma_start3A_144 : memref<1x160xf32, #tpu.memory_space<hbm>> -> memref<160xf32, #tpu.memory_space<hbm>>
      tpu.enqueue_dma source(%arg10 : memref<160xf32, #tpu.memory_space<vmem>>) target(%dma_start3A_145 : memref<160xf32, #tpu.memory_space<hbm>>) target_semaphore(%run_scoped3A : memref<!tpu.dma_semaphore, #tpu.memory_space<semaphore_mem>>)
      %dma_wait3A = arith.constant 0 : i32
      %dma_wait3A_146 = tpu.memref_slice %arg6[%add3A, %dma_wait3A] : memref<32x160xf32, #tpu.memory_space<hbm>> -> memref<1x160xf32, #tpu.memory_space<hbm>>
      %dma_wait3A_147 = tpu.memref_squeeze %dma_wait3A_146 : memref<1x160xf32, #tpu.memory_space<hbm>> -> memref<160xf32, #tpu.memory_space<hbm>>
      %dma_wait3A_148 = arith.constant 0 : i32
      %dma_wait3A_149 = tpu.memref_slice %arg6[%add3A, %dma_wait3A_148] : memref<32x160xf32, #tpu.memory_space<hbm>> -> memref<1x160xf32, #tpu.memory_space<hbm>>
      %dma_wait3A_150 = tpu.memref_squeeze %dma_wait3A_149 : memref<1x160xf32, #tpu.memory_space<hbm>> -> memref<160xf32, #tpu.memory_space<hbm>>
      tpu.wait_dma2 semaphore(%run_scoped3A : memref<!tpu.dma_semaphore, #tpu.memory_space<semaphore_mem>>) src(%arg10 : memref<160xf32, #tpu.memory_space<vmem>>) dst(%dma_wait3A_150 : memref<160xf32, #tpu.memory_space<hbm>>)
      tpu.yield
    }) : () -> ()
    return
  }
}

</mosaic_0001>

<sc_bundles>
// kernel: _sc_launch.3.cloned.1.call-start
scs
__scs_entry_jumppad:
0x0: {  	(pc) =	sbr.rel $0x88, $3  }
0x1: {  	(tag) =	ssettag $0x0;
	lr =	simm.s32 $0x1  }
0x2: {  	[smem:$0x3F9E] =	sst lr;
	_ =	strace $0xD0000000  }
0x3: {  	_ = 	snop  }
0x4: {  	_ = 	snop  }
0x5: {  	_ = 	snop  }
0x6: {  	_ = 	snop  }
0x7: {  	_ = 	snop  }
__scs_overlays_trampoline_lowered:
0x8: {  	[smem:$0x3FAD] =	sst s0  }
0x9: {  	[smem:$0x3FAE] =	sst s1  }
0xa: {  	[smem:$0x3FAF] =	sst s2  }
0xb: {  	[smem:$0x3FB0] =	sst s3  }
0xc: {  	[smem:$0x3FB1] =	sst s4  }
0xd: {  	[smem:$0x3FB2] =	sst s5  }
0xe: {  	[smem:$0x3FB3] =	sst s6  }
0xf: {  	[smem:$0x3FB4] =	sst s7  }
0x10: {  	[smem:$0x3FB5] =	sst s8  }
0x11: {  	[smem:$0x3FB6] =	sst s9;
	s0 =	simm.s32 @!p0 $0x0  }
0x12: {  	s1 =	sld [smem:$0x3F9C];
	s0 =	simm.s32 @p0 $0x1  }
0x13: {  	[smem:$0x3FB7] =	sst s0;
	s0 =	simm.s32 @!p1 $0x0  }
0x14: {  	s2 =	sld [smem:$0x3F9B];
	s0 =	simm.s32 @p1 $0x1  }
0x15: {  	[smem:$0x3FB8] =	sst s0;
	s0 =	simm.s32 @!p2 $0x0  }
0x16: {  	s3 =	sld [smem:$0x3FDB];
	s0 =	simm.s32 @p2 $0x1  }
0x17: {  	s4 =	simm.s32 $0x1BF5;
	[smem:$0x3FBA] =	sst s0  }
0x18: {  	s0 =	sld [smem:$0x3F9D];
	_ =	swait.ge [sflag:s4], $0x0  }
0x19: {  	s7 =	sld [smem:$0x3F9E]  }
0x1a: {  	s8 =	sadd.s32 $0xFFFFE003, lr  }
0x1b: {  	s9 =	sadd.s32 $0xFFFFFEF7, lr;
	s5 =	simm.s32 $0xFFFFFFFF;
	p2 =	slt.u32 s8, $0xFFFFF086  }
0x1c: {  	p1 =	slt.u32 s9, $0xF7A;
	s5 =	simm.s32 @!p2 $0x0  }
0x1d: {  	s5 =	simm.s32 @p1 $0x1;
	p0 =	seq.s32 s7, s2  }
0x1e: {  	s7 =	smul.u32 @!p0 $0xF7A, s2;
	p2 =	seq.s32 @!p0 s5, $0x0  }
0x1f: {  	s9 =	smul.u32 $0xF7A, s1;
	s8 =	simm.s32 @!p0 $0x1BF5;
	p2 =	por !p2, p0  }
0x20: {  	[sflag:s8] =	ssyncset.s32 @!p0 $0xFFFFF086;
	s6 =	sadd.s32 @!p0 s3, s7;
	s7 =	simm.s32 @!p0 $0x108  }
0x21: {  	s3 =	sadd.s32 s3, s9;
	s6 =	sadd.s32 @!p0 $0x88, s6;
	s7 =	simm.s32 @p2 $0x1082  }
0x22: {  	[simem:s7], [sflag:s8] =	dma.local @!p0 [hbm:s6], $0xF7A  }
0x23: {  	s9 =	sor.u32 $0xD0000000, s2;
	s6 =	simm.s32 $0x108;
	_ =	swait.ge @!p0 [sflag:s8], $0x0  }
0x24: {  	s3 =	sadd.s32 $0x88, s3;
	s6 =	simm.s32 @!p1 $0x1082;
	[sflag:s4] =	ssyncset.s32 $0xFFFFF086  }
0x25: {  	[simem:s6], [sflag:s4] =	dma.local [hbm:s3], $0xF7A  }
0x26: {  	[smem:$0x3F9E] =	sst s1;
	(tag) =	ssettag s2;
	_ =	strace s9  }
0x27: {  	s1 =	sld [smem:$0x3FAE]  }
0x28: {  	s2 =	sld [smem:$0x3FAF]  }
0x29: {  	s4 =	sld [smem:$0x3FB1]  }
0x2a: {  	p0 =	seq.s32 s5, $0x0;
	s5 =	sld [smem:$0x3FB2]  }
0x2b: {  	s6 =	sld [smem:$0x3FB3]  }
0x2c: {  	s7 =	sld [smem:$0x3FB4]  }
0x2d: {  	s3 =	simm.s32 $0x108;
	s8 =	sld [smem:$0x3FB5]  }
0x2e: {  	s3 =	simm.s32 @!p0 $0x1082;
	s9 =	sld [smem:$0x3FB6]  }
0x2f: {  	lr =	sadd.s32 s0, s3;
	s0 =	sld [smem:$0x3FAD]  }
0x30: {  	s3 =	sld [smem:$0x3FB0]  }
0x31: {  	[smem:$0x3FB9] =	sst s10  }
0x32: {  	s10 =	sld [smem:$0x3FB7];
	_ =	sdelay $0x3  }
0x33: {  	p0 =	seq.s32 s10, $0x1;
	s10 =	sld [smem:$0x3FB9];
	_ =	sdelay $0x3  }
0x34: {  	[smem:$0x3FB9] =	sst s10  }
0x35: {  	s10 =	sld [smem:$0x3FB8];
	_ =	sdelay $0x3  }
0x36: {  	p1 =	seq.s32 s10, $0x1;
	s10 =	sld [smem:$0x3FB9];
	_ =	sdelay $0x3  }
0x37: {  	[smem:$0x3FB9] =	sst s10  }
0x38: {  	s10 =	sld [smem:$0x3FBA]  }
0x39: {  	_ = 	snop;
	(pc) =	sbr.ind lr, $3  }
0x3a: {  	_ = 	snop  }
0x3b: {  	_ = 	snop  }
0x3c: {  	p2 =	seq.s32 s10, $0x1;
	s10 =	sld [smem:$0x3FB9]  }
0x3d: {  	_ =	shalt  }
0x3e: {  	_ =	shalt  }
0x3f: {  	_ =	shalt  }
0x40: {  	_ =	shalt  }
0x41: {  	_ =	shalt  }
0x42: {  	_ =	shalt  }
0x43: {  	_ =	shalt  }
0x44: {  	_ =	shalt  }
0x45: {  	_ =	shalt  }
0x46: {  	_ =	shalt  }
0x47: {  	_ =	shalt  }
0x48: {  	_ =	shalt  }
0x49: {  	_ =	shalt  }
0x4a: {  	_ =	shalt  }
0x4b: {  	_ =	shalt  }
0x4c: {  	_ =	shalt  }
0x4d: {  	_ =	shalt  }
0x4e: {  	_ =	shalt  }
0x4f: {  	_ =	shalt  }
0x50: {  	_ =	shalt  }
0x51: {  	_ =	shalt  }
0x52: {  	_ =	shalt  }
0x53: {  	_ =	shalt  }
0x54: {  	_ =	shalt  }
0x55: {  	_ =	shalt  }
0x56: {  	_ =	shalt  }
0x57: {  	_ =	shalt  }
0x58: {  	_ =	shalt  }
0x59: {  	_ =	shalt  }
0x5a: {  	_ =	shalt  }
0x5b: {  	_ =	shalt  }
0x5c: {  	_ =	shalt  }
0x5d: {  	_ =	shalt  }
0x5e: {  	_ =	shalt  }
0x5f: {  	_ =	shalt  }
0x60: {  	_ =	shalt  }
0x61: {  	_ =	shalt  }
0x62: {  	_ =	shalt  }
0x63: {  	_ =	shalt  }
0x64: {  	_ =	shalt  }
0x65: {  	_ =	shalt  }
0x66: {  	_ =	shalt  }
0x67: {  	_ =	shalt  }
0x68: {  	_ =	shalt  }
0x69: {  	_ =	shalt  }
0x6a: {  	_ =	shalt  }
0x6b: {  	_ =	shalt  }
0x6c: {  	_ =	shalt  }
0x6d: {  	_ =	shalt  }
0x6e: {  	_ =	shalt  }
0x6f: {  	_ =	shalt  }
0x70: {  	_ =	shalt  }
0x71: {  	_ =	shalt  }
0x72: {  	_ =	shalt  }
0x73: {  	_ =	shalt  }
0x74: {  	_ =	shalt  }
0x75: {  	_ =	shalt  }
0x76: {  	_ =	shalt  }
0x77: {  	_ =	shalt  }
0x78: {  	_ =	shalt  }
0x79: {  	_ =	shalt  }
0x7a: {  	_ =	shalt  }
0x7b: {  	_ =	shalt  }
0x7c: {  	_ =	shalt  }
0x7d: {  	_ =	shalt  }
0x7e: {  	_ =	shalt  }
0x7f: {  	_ =	shalt  }
0x80: {  	_ =	shalt  }
0x81: {  	_ =	shalt  }
0x82: {  	_ =	shalt  }
0x83: {  	_ =	shalt  }
0x84: {  	_ =	shalt  }
0x85: {  	_ =	shalt  }
0x86: {  	_ =	shalt  }
0x87: {  	_ =	shalt  }
.Lfunc_end0:
.L_simem_size_0:
called_computation_lowered:
.L_overlay_start_0:
0x88: {  	s2 =	sld [smem:$0x3FD9]  }
0x89: {  	s3 =	sld [smem:$0x3FFE];
	_ =	sdelay $0x1  }
0x8a: {  	s1 =	srdreg.scid  }
0x8b: {  	s0 =	sand.u32 $0x1, s1  }
0x8c: {  	s14 =	sshll.u32 s0, $0xA;
	s2 =	sadd.s32 s3, s2  }
0x8d: {  	s2 =	sadd.s32 s2, s14  }
0x8e: {  	[smem:$0x3FC5] =	sst s2  }
0x8f: {  	_ = 	snop  }
0x90: {  	s2 =	sld [smem:$0x3FD0]  }
0x91: {  	s15 =	sld [smem:$0x3FC9]  }
0x92: {  	s4 =	sld [smem:$0x3FC8]  }
0x93: {  	s6 =	simm.s32 $0xA;
	s7 =	simm.s32 $0x10;
	s5 =	sld [smem:$0x3FC7]  }
0x94: {  	[smem:s7], [sflag:s6] =	dma.local [hbm:s2], $0x1  }
0x95: {  	_ =	swait.eq [sflag:s6], $0x1  }
0x96: {  	[sflag:s6] =	ssyncset.done $0x0  }
0x97: {  	[sflag:s6] =	ssyncadd.s32 $0xFFFFFFFF  }
0x98: {  	s16 =	sld [smem:$0x11];
	(tm) =	ssettm $0x1  }
0x99: {  	s17 =	sld [smem:$0x3FFB];
	_ =	sdelay $0x3  }
0x9a: {  	_ =	strace s17  }
0x9b: {  	s6 =	sld [smem:$0x3FFC];
	_ =	sdelay $0x3  }
0x9c: {  	_ =	strace s6  }
0x9d: {  	s6 =	sld [smem:$0x3FFD];
	_ =	sdelay $0x3  }
0x9e: {  	_ =	strace s6  }
0x9f: {  	_ =	strace $0x8FFFFFFF  }
0xa0: {  	s18 =	sld [smem:$0x3FDB];
	_ =	sdelay $0x1  }
0xa1: {  	s19 =	simm.s32 $_scs_section_size  }
0xa2: {  	s8 =	simm.s32 $_size__tile_overlayer_lowered;
	s9 =	simm.s32 $_tile_overlayer_lowered  }
0xa3: {  	s22 =	simm.s32 $0x1BFF;
	s21 =	sshll.u32 s9, $0x1;
	s6 =	sadd.s32 s19, s18  }
0xa4: {  	s10 =	simm.s32 $0x0;
	s20 =	sshll.u32 s8, $0x1;
	s8 =	sadd.s32 s21, s6  }
0xa5: {  	[timem:s10], [sflag:s22] =	dma.local [hbm:s8], s20  }
0xa6: {  	_ =	swait.ge [sflag:s22], s20  }
0xa7: {  	s7 =	ssub.s32 $0x0, s20;
	[sflag:s22] =	ssyncset.done $0x0  }
0xa8: {  	[sflag:s22] =	ssyncadd.s32 s7;
	_ =	sdelay $0x1  }
0xa9: {  	s23 =	simm.s32 $0x1B8B  }
0xaa: {  	_ =	swait.ge [sflag:s23], $0x1  }
0xab: {  	[sflag:s23] =	ssyncset.done $0x0  }
0xac: {  	s25 =	simm.s32 $0x1B8E;
	s24 =	sld [smem:$0x3FFE];
	[sflag:s23] =	ssyncadd.s32 $0xFFFFFFFF  }
0xad: {  	s26 =	simm.s32 $execute0_lowered;
	[smem:$0x3FD2] =	sst s25  }
0xae: {  	s8 =	sshll.u32 s26, $0x1;
	_ =	strace $0x80000046;
	[dreg:$0x1] =	wrdreg $0xFFFFFFFF  }
0xaf: {  	s28 =	simm.s32 $_size_execute0_lowered;
	s6 =	sadd.s32 s6, s8;
	[dreg:$0x0] =	wrdreg $0x0  }
0xb0: {  	s8 =	sshll.u32 s28, $0x1;
	[dreg:$0x2] =	wrdreg s6  }
0xb1: {  	[dreg:$0x3] =	wrdreg s8  }
0xb2: {  	[dreg:$0x4] =	wrdreg $0xC0  }
0xb3: {  	_ =	task [dreg:s10], $0x5FFFF  }
0xb4: {  	[dreg:$0x1] =	wrdreg $0xFFFFFFFF  }
0xb5: {  	[dreg:$0x0] =	wrdreg $0x60  }
0xb6: {  	[dreg:$0x2] =	wrdreg s15  }
0xb7: {  	[dreg:$0x3] =	wrdreg s4  }
0xb8: {  	[dreg:$0x4] =	wrdreg s5  }
0xb9: {  	[dreg:$0x5] =	wrdreg s24  }
0xba: {  	[dreg:$0x6] =	wrdreg s16  }
0xbb: {  	[dreg:$0x7] =	wrdreg $0x9  }
0xbc: {  	_ =	task.clear_ibuf [dreg:s10], $0x8FFFF;
	_ =	strace $0x90000046  }
0xbd: {  	s29 =	simm.s32 $0x9;
	_ =	strace $0x80000048  }
0xbe: {  	_ =	swait.ge [sflag:s29], $0x1  }
0xbf: {  	[sflag:s29] =	ssyncadd.s32 $0xFFFFFFFF  }
0xc0: {  	_ =	strace $0x90000048  }
0xc1: {  	_ =	sfence  }
0xc2: {  	s30 =	sld [smem:$0x0];
	_ =	sdelay $0x2  }
0xc3: {  	s31 =	sshll.u32 s1, $0xD;
	s1 =	sshrl.u32 s1, $0x2  }
0xc4: {  	s3 =	sand.u32 $0x4000, s31;
	s1 =	sadd.s32 s1, s30  }
0xc5: {  	s0 =	sor.u32 s3, s0;
	s1 =	sshll.u32 s1, $0x11  }
0xc6: {  	s0 =	sor.u32 s1, s0  }
0xc7: {  	s0 =	sadd.s32 $0x8F2B, s0  }
0xc8: {  	[sflag:s0] =	ssyncadd.remote.s32 $0x1  }
0xc9: {  	_ =	sfence.sel $0xFFFF  }
0xca: {  	[dreg:$0x0] =	wrdreg $0xFFFFFFFF;
	(pc) =	sbr.abs _section_cstart, $3  }
0xcb: {  	[dreg:$0x1] =	wrdreg $0xFFFFFFFF  }
0xcc: {  	_ =	task.clear_ibuf [dreg:s10], $0x2FFFF;
	_ =	strace $0x9FFFFFFF  }
0xcd: {  	(tm) =	ssettm $0x7FFFFFFF  }
tec
execute0_lowered:
.L_overlay_start_1:
0x0: {  	(tag) =	ssettag $0x1  }
0x1: {  	s1 =	rddreg [dreg:$0x0]  }
0x2: {  	s2 =	rddreg [dreg:$0x1]  }
0x3: {  	s3 =	rddreg [dreg:$0x2];
	s4 =	srdreg.scid  }
0x4: {  	s0 =	stileid.u32;
	s6 =	rddreg [dreg:$0x3]  }
0x5: {  	s11 =	rddreg [dreg:$0x4];
	s13 =	simm.s32 $0x10200;
	s14 =	simm.s32 $0x5  }
0x6: {  	s15 =	simm.s32 $0x8000;
	s16 =	simm.s32 $0x4000;
	s17 =	simm.s32 $0xC000  }
0x7: {  	s18 =	simm.s32 $0x1;
	s19 =	simm.s32 $0x3;
	s20 =	simm.s32 $0x10000  }
0x8: {  	s21 =	simm.s32 $0x10100;
	s22 =	simm.s32 $0x2;
	s23 =	simm.s32 $0x4  }
0x9: {  	s24 =	simm.s32 $0x80;
	s25 =	simm.s32 $0x400;
	s26 =	simm.s32 $0x0  }
0xa: {  	s4 =	sand.u32 $0x1, s4;
	s5 =	sshll.u32 s0, $0x1;
	s8 =	sshrl.u32 s0, $0x2  }
0xb: {  	s7 =	sor.u32 s4, s5;
	s5 =	simm.s32 $0x0;
	s10 =	sshll.u32 s8, $0xA  }
0xc: {  	s4 =	ssub.s32 $0x2, s4;
	s8 =	sshll.u32 s8, $0xB;
	s9 =	sshll.u32 s7, $0x7  }
0xd: {  	[smem:$0x7FF] =	sst s5;
	s12 =	sshrl.u32 s4, $0x1;
	s30 =	sshll.u32 s7, $0x10  }
0xe: {  	s9 =	sand.u32 $0x380, s9;
	_ =	strace $0x80000047;
	s4 =	ssub.s32 s4, s12  }
0xf: {  	v0 =	vimm.f32 $0.0e+00;
	v1 =	vimm.f32 $1.000000000e+00;
	v2 =	vlaneseq.u32;
	s10 =	sor.u32 s10, s9;
	s9 =	sor.u32 s8, s9;
	s8 =	sadd.s32 s2, s30  }
0x10: {  	v3 =	vimm.s32 $0x1;
	v4 =	vimm.s32 $0x2;
	v5 =	vimm.s32 $0x3;
	s12 =	smax.u32 s4, $0x1;
	s10 =	sshrl.u32 s10, $0x3;
	s31 =	sshrl.u32 s9, $0x3  }
0x11: {  	v6 =	vimm.s32 $0x4;
	v7 =	vimm.s32 $0x5;
	v8 =	vimm.s32 $0x6;
	s10 =	sadd.s32 s10, s6;
	s6 =	sshll.u32 s7, $0x13;
	s7 =	sadd.s32 s1, s30  }
0x12: {  	v9 =	vimm.s32 $0x7;
	v10 =	vimm.s32 $0x8;
	v11 =	vimm.s32 $0x9;
	s11 =	sadd.s32 s11, s31;
	s9 =	sor.u32 $0x8000, s6;
	s10 =	sadd.s32 $0x800, s10  }
.LBB2_1:
0x13: {  	[tilespmem:$0x10000] =	vst v0  }
0x14: {  	[tilespmem:$0x10100] =	vst v0  }
0x15: {  	[tilespmem:$0x10010] =	vst v0  }
0x16: {  	[tilespmem:$0x10110] =	vst v0  }
0x17: {  	[tilespmem:$0x10020] =	vst v0  }
0x18: {  	[tilespmem:$0x10120] =	vst v0  }
0x19: {  	[tilespmem:$0x10030] =	vst v0  }
0x1a: {  	[tilespmem:$0x10130] =	vst v0  }
0x1b: {  	[tilespmem:$0x10040] =	vst v0  }
0x1c: {  	[tilespmem:$0x10140] =	vst v0  }
0x1d: {  	[tilespmem:$0x10050] =	vst v0  }
0x1e: {  	[tilespmem:$0x10150] =	vst v0  }
0x1f: {  	[tilespmem:$0x10060] =	vst v0  }
0x20: {  	[tilespmem:$0x10160] =	vst v0  }
0x21: {  	[tilespmem:$0x10070] =	vst v0  }
0x22: {  	[tilespmem:$0x10170] =	vst v0  }
0x23: {  	[tilespmem:$0x10080] =	vst v0  }
0x24: {  	[tilespmem:$0x10180] =	vst v0  }
0x25: {  	[tilespmem:$0x10090] =	vst v0  }
0x26: {  	[tilespmem:$0x10190] =	vst v0  }
0x27: {  	[tilespmem:s13], [sflag:$0x5] =	stream.linear.gather [hbm4b:s3+s5], $0x80, $0x38;
	[tilespmem:$0x10280] =	vst v63  }
0x28: {  	_ =	swait.ge [sflag:s14], $0x80  }
0x29: {  	[sflag:s14] =	ssyncset.done $0x0  }
0x2a: {  	[sflag:s14] =	ssyncadd.s32 $0xFFFFFF80  }
0x2b: {  	v12 =	vld [tilespmem:$0x10200];
	_ =	sdelay $0x4  }
0x2c: {  	(erf) = vrcp.f32 v12;
	_ =	sdelay $0x8  }
0x2d: {  	v12 =	vpop (erf)  }
0x2e: {  	v12 =	vadd.f32 $1.000000050e-03, v12;
	_ =	sdelay $0x1  }
0x2f: {  	[tilespmem:$0x10200] =	vst v12  }
0x30: {  	[tilespmem:s5], [sflag:$0x1] =	stream.linear.gather [hbm4b:s7+s5], $0x4000, $0x38;
	[tilespmem:$0x10280] =	vst v63  }
0x31: {  	s28 =	simm.s32 $0x0  }
0x32: {  	[tilespmem:s15], [sflag:$0x3] =	stream.linear.gather [hbm4b:s8+s5], $0x4000, $0x38;
	[tilespmem:$0x10280] =	vst v63  }
.LBB2_2:
0x33: {  	s29 =	sshll.u32 s28, $0xF  }
0x34: {  	s4 =	sor.u32 s29, s6  }
0x35: {  	s4 =	sshrl.u32 s4, $0x3  }
0x36: {  	s4 =	sor.u32 $0x800, s4  }
0x37: {  	s30 =	sadd.s32 s1, s4  }
0x38: {  	[tilespmem:s16], [sflag:$0x2] =	stream.linear.gather [hbm4b:s30+s5], $0x4000, $0x38;
	[tilespmem:$0x10280] =	vst v63  }
0x39: {  	s4 =	sadd.s32 s2, s4  }
0x3a: {  	[tilespmem:s17], [sflag:$0x4] =	stream.linear.gather [hbm4b:s4+s5], $0x4000, $0x38;
	[tilespmem:$0x10280] =	vst v63  }
0x3b: {  	_ =	swait.ge [sflag:s18], $0x4000  }
0x3c: {  	[sflag:s18] =	ssyncset.done $0x0  }
0x3d: {  	[sflag:s18] =	ssyncadd.s32 $0xFFFFC000  }
0x3e: {  	_ =	swait.ge [sflag:s19], $0x4000  }
0x3f: {  	[sflag:s19] =	ssyncset.done $0x0  }
0x40: {  	s30 =	simm.s32 $0x20;
	[sflag:s19] =	ssyncadd.s32 $0xFFFFC000  }
0x41: {  	v12 =	vld [tilespmem:s30+$0xFFFFFFE0];
	_ =	sdelay $0x4  }
0x42: {  	v13 =	vsub.f32 $1.000000000e+00, v12  }
0x43: {  	v14 =	vadd.s32 $0xC0CAFB0D, v12  }
0x44: {  	v15 =	vand.u32 $0xFF800000, v14;
	v16 =	vadd.s32 $0xC0CAFB0D, v13  }
0x45: {  	v15 =	vsub.s32 v12, v15;
	v18 =	vand.u32 $0xFF800000, v16  }
0x46: {  	v17 =	vadd.f32 $1.000000000e+00, v15;
	v18 =	vsub.s32 v13, v18  }
0x47: {  	v19 =	vadd.f32 $1.000000000e+00, v18  }
0x48: {  	(erf) = vrcp.f32 v17  }
0x49: {  	(erf) = vrcp.f32 v19;
	_ =	sdelay $0x6  }
0x4a: {  	v15 =	vadd.f32 $-1.000000000e+00, v15  }
0x4b: {  	v55 =	vadd.f32 $-1.000000000e+00, v18;
	v17 =	vpop (erf)  }
0x4c: {  	v15 =	vmul.f32 v17, v15;
	v56 =	vpop (erf)  }
0x4d: {  	v17 =	vmul.f32 v56, v55  }
0x4e: {  	v57 =	vmul.f32 v15, v15  }
0x4f: {  	v20 =	vmul.f32 v17, v17  }
0x50: {  	v58 =	vmul.f32 $1.428571490e-01, v57  }
0x51: {  	s31 =	simm.s32 $0x8020;
	v21 =	vmul.f32 $1.428571490e-01, v20  }
0x52: {  	v22 =	vld [tilespmem:s31+$0xFFFFFFE0];
	v18 =	vadd.f32 $2.000000030e-01, v58  }
0x53: {  	v21 =	vadd.f32 $2.000000030e-01, v21  }
0x54: {  	v18 =	vmul.f32 v18, v57  }
0x55: {  	v21 =	vmul.f32 v21, v20  }
0x56: {  	v18 =	vadd.f32 $3.333333430e-01, v18  }
0x57: {  	v60 =	vsub.f32 v12, v22;
	v14 =	vshra.s32 v14, $0x17;
	v59 =	vadd.f32 $3.333333430e-01, v21  }
0x58: {  	v14 =	vcvt.s32.f32 v14;
	v16 =	vshra.s32 v16, $0x17;
	v18 =	vmul.f32 v18, v57  }
0x59: {  	v61 =	vand.u32 $0x7FFFFFFF, v60;
	v16 =	vcvt.s32.f32 v16;
	v19 =	vmul.f32 v59, v20  }
0x5a: {  	v14 =	vmul.f32 $6.931471820e-01, v14;
	v15 =	vadd.f32 v15, v15;
	v18 =	vadd.f32 $1.000000000e+00, v18  }
0x5b: {  	v17 =	vadd.f32 v17, v17;
	v20 =	vmul.f32 $1.000000000e+01, v61;
	v19 =	vadd.f32 $1.000000000e+00, v19  }
0x5c: {  	v16 =	vmul.f32 $6.931471820e-01, v16;
	v15 =	vmul.f32 v18, v15  }
0x5d: {  	v62 =	vtrunc.f32 v20;
	v17 =	vmul.f32 v19, v17  }
0x5e: {  	v18 =	vcvt.f32.s32 v62  }
0x5f: {  	v14 =	vadd.f32 v15, v14;
	v15 =	vadd.f32 v17, v16  }
0x60: {  	vm0 =	vgt.f32 v12, $0.0e+00;
	vm1 =	vgt.f32 v13, $0.0e+00;
	vm2 =	vlt.s32 v18, $0x9  }
0x61: {  	v12 =	vnsel vm0, $0xC2C80000, v14;
	v14 =	vnsel vm2, $0x9, v18;
	v13 =	vnsel vm1, $0xC2C80000, v15  }
0x62: {  	v14 =	vshll.u32 v14, $0x4;
	v12 =	vsub.f32 v13, v12  }
0x63: {  	v14 =	vor.u32 v2, v14  }
0x64: {  	v12 =	vmul.f32 v12, v22;
	_ =	sdelay $0x1  }
0x65: {  	v12 =	vsub.f32 v12, v13;
	_ =	sdelay $0x1  }
0x66: {  	[tilespmem:v14+s20+$0x0] =	vst.idx.add.f32.msk $0xffff, v12  }
0x67: {  	[tilespmem:v14+s21+$0x0] =	vst.idx.add.f32.msk $0xffff, v1  }
0x68: {  	v12 =	vld [tilespmem:s30+$0xFFFFFFF0];
	_ =	sdelay $0x4  }
0x69: {  	v13 =	vsub.f32 $1.000000000e+00, v12  }
0x6a: {  	v14 =	vadd.s32 $0xC0CAFB0D, v12  }
0x6b: {  	v15 =	vand.u32 $0xFF800000, v14;
	v63 =	vadd.s32 $0xC0CAFB0D, v13  }
0x6c: {  	v15 =	vsub.s32 v12, v15;
	v24 =	vand.u32 $0xFF800000, v63  }
0x6d: {  	v23 =	vadd.f32 $1.000000000e+00, v15;
	v18 =	vsub.s32 v13, v24  }
0x6e: {  	v25 =	vadd.f32 $1.000000000e+00, v18  }
0x6f: {  	(erf) = vrcp.f32 v23  }
0x70: {  	(erf) = vrcp.f32 v25;
	_ =	sdelay $0x7  }
0x71: {  	v15 =	vadd.f32 $-1.000000000e+00, v15;
	v26 =	vadd.f32 $-1.000000000e+00, v18;
	v17 =	vpop (erf)  }
0x72: {  	v27 =	vpop (erf)  }
0x73: {  	v15 =	vmul.f32 v17, v15;
	v17 =	vmul.f32 v27, v26;
	_ =	sdelay $0x1  }
0x74: {  	v28 =	vmul.f32 v15, v15;
	v30 =	vmul.f32 v17, v17  }
0x75: {  	v32 =	vld [tilespmem:s31+$0xFFFFFFF0]  }
0x76: {  	v29 =	vmul.f32 $1.428571490e-01, v28;
	v31 =	vmul.f32 $1.428571490e-01, v30;
	_ =	sdelay $0x1  }
0x77: {  	v18 =	vadd.f32 $2.000000030e-01, v29;
	v21 =	vadd.f32 $2.000000030e-01, v31;
	_ =	sdelay $0x1  }
0x78: {  	v34 =	vsub.f32 v12, v32;
	v18 =	vmul.f32 v18, v28;
	v21 =	vmul.f32 v21, v30  }
0x79: {  	v14 =	vshra.s32 v14, $0x17  }
0x7a: {  	v35 =	vand.u32 $0x7FFFFFFF, v34;
	v18 =	vadd.f32 $3.333333430e-01, v18;
	v33 =	vadd.f32 $3.333333430e-01, v21  }
0x7b: {  	v14 =	vcvt.s32.f32 v14;
	v20 =	vmul.f32 $1.000000000e+01, v35  }
0x7c: {  	v16 =	vshra.s32 v63, $0x17;
	v18 =	vmul.f32 v18, v28;
	v19 =	vmul.f32 v33, v30  }
0x7d: {  	v16 =	vcvt.s32.f32 v16;
	v15 =	vadd.f32 v15, v15;
	v17 =	vadd.f32 v17, v17  }
0x7e: {  	v14 =	vmul.f32 $6.931471820e-01, v14;
	v18 =	vadd.f32 $1.000000000e+00, v18;
	v19 =	vadd.f32 $1.000000000e+00, v19  }
0x7f: {  	v36 =	vtrunc.f32 v20;
	v16 =	vmul.f32 $6.931471820e-01, v16  }
0x80: {  	v15 =	vmul.f32 v18, v15;
	v17 =	vmul.f32 v19, v17  }
0x81: {  	v18 =	vcvt.f32.s32 v36  }
0x82: {  	v14 =	vadd.f32 v15, v14;
	v15 =	vadd.f32 v17, v16  }
0x83: {  	vm7 =	vgt.f32 v12, $0.0e+00;
	vm8 =	vgt.f32 v13, $0.0e+00;
	vm9 =	vlt.s32 v18, $0x9  }
0x84: {  	v12 =	vnsel vm7, $0xC2C80000, v14;
	v14 =	vnsel vm9, $0x9, v18;
	v13 =	vnsel vm8, $0xC2C80000, v15  }
0x85: {  	v14 =	vshll.u32 v14, $0x4;
	v12 =	vsub.f32 v13, v12  }
0x86: {  	v14 =	vor.u32 v2, v14  }
0x87: {  	v12 =	vmul.f32 v12, v32;
	_ =	sdelay $0x1  }
0x88: {  	v12 =	vsub.f32 v12, v13;
	_ =	sdelay $0x1  }
0x89: {  	[tilespmem:v14+s20+$0x0] =	vst.idx.add.f32.msk $0xffff, v12  }
0x8a: {  	[tilespmem:v14+s21+$0x0] =	vst.idx.add.f32.msk $0xffff, v1  }
0x8b: {  	v12 =	vld [tilespmem:s30+$0x0];
	_ =	sdelay $0x4  }
0x8c: {  	v13 =	vsub.f32 $1.000000000e+00, v12  }
0x8d: {  	v14 =	vadd.s32 $0xC0CAFB0D, v12  }
0x8e: {  	v15 =	vand.u32 $0xFF800000, v14;
	v37 =	vadd.s32 $0xC0CAFB0D, v13  }
0x8f: {  	v15 =	vsub.s32 v12, v15;
	v39 =	vand.u32 $0xFF800000, v37  }
0x90: {  	v38 =	vadd.f32 $1.000000000e+00, v15;
	v18 =	vsub.s32 v13, v39  }
0x91: {  	v40 =	vadd.f32 $1.000000000e+00, v18  }
0x92: {  	(erf) = vrcp.f32 v38  }
0x93: {  	(erf) = vrcp.f32 v40;
	_ =	sdelay $0x7  }
0x94: {  	v15 =	vadd.f32 $-1.000000000e+00, v15;
	v41 =	vadd.f32 $-1.000000000e+00, v18;
	v17 =	vpop (erf)  }
0x95: {  	v42 =	vpop (erf)  }
0x96: {  	v15 =	vmul.f32 v17, v15;
	v17 =	vmul.f32 v42, v41;
	_ =	sdelay $0x1  }
0x97: {  	v43 =	vmul.f32 v15, v15;
	v45 =	vmul.f32 v17, v17  }
0x98: {  	v47 =	vld [tilespmem:s31+$0x0]  }
0x99: {  	v44 =	vmul.f32 $1.428571490e-01, v43;
	v46 =	vmul.f32 $1.428571490e-01, v45;
	_ =	sdelay $0x1  }
0x9a: {  	v18 =	vadd.f32 $2.000000030e-01, v44;
	v21 =	vadd.f32 $2.000000030e-01, v46;
	_ =	sdelay $0x1  }
0x9b: {  	v49 =	vsub.f32 v12, v47;
	v18 =	vmul.f32 v18, v43;
	v21 =	vmul.f32 v21, v45  }
0x9c: {  	v14 =	vshra.s32 v14, $0x17  }
0x9d: {  	v50 =	vand.u32 $0x7FFFFFFF, v49;
	v18 =	vadd.f32 $3.333333430e-01, v18;
	v48 =	vadd.f32 $3.333333430e-01, v21  }
0x9e: {  	v14 =	vcvt.s32.f32 v14;
	v20 =	vmul.f32 $1.000000000e+01, v50  }
0x9f: {  	v16 =	vshra.s32 v37, $0x17;
	v18 =	vmul.f32 v18, v43;
	v19 =	vmul.f32 v48, v45  }
0xa0: {  	v16 =	vcvt.s32.f32 v16;
	v15 =	vadd.f32 v15, v15;
	v17 =	vadd.f32 v17, v17  }
0xa1: {  	v14 =	vmul.f32 $6.931471820e-01, v14;
	v18 =	vadd.f32 $1.000000000e+00, v18;
	v19 =	vadd.f32 $1.000000000e+00, v19  }
0xa2: {  	v51 =	vtrunc.f32 v20;
	v16 =	vmul.f32 $6.931471820e-01, v16  }
0xa3: {  	v15 =	vmul.f32 v18, v15;
	v17 =	vmul.f32 v19, v17  }
0xa4: {  	v18 =	vcvt.f32.s32 v51  }
0xa5: {  	v14 =	vadd.f32 v15, v14;
	v15 =	vadd.f32 v17, v16  }
0xa6: {  	vm10 =	vgt.f32 v12, $0.0e+00;
	vm11 =	vgt.f32 v13, $0.0e+00;
	vm12 =	vlt.s32 v18, $0x9  }
0xa7: {  	v12 =	vnsel vm10, $0xC2C80000, v14;
	v14 =	vnsel vm12, $0x9, v18;
	v13 =	vnsel vm11, $0xC2C80000, v15  }
0xa8: {  	v14 =	vshll.u32 v14, $0x4;
	v12 =	vsub.f32 v13, v12  }
0xa9: {  	v14 =	vor.u32 v2, v14  }
0xaa: {  	v12 =	vmul.f32 v12, v47;
	_ =	sdelay $0x1  }
0xab: {  	v12 =	vsub.f32 v12, v13;
	_ =	sdelay $0x1  }
0xac: {  	[tilespmem:v14+s20+$0x0] =	vst.idx.add.f32.msk $0xffff, v12  }
0xad: {  	[tilespmem:v14+s21+$0x0] =	vst.idx.add.f32.msk $0xffff, v1  }
0xae: {  	v12 =	vld [tilespmem:s30+$0x10];
	_ =	sdelay $0x4  }
0xaf: {  	v13 =	vsub.f32 $1.000000000e+00, v12  }
0xb0: {  	v14 =	vadd.s32 $0xC0CAFB0D, v12  }
0xb1: {  	v15 =	vand.u32 $0xFF800000, v14;
	v52 =	vadd.s32 $0xC0CAFB0D, v13  }
0xb2: {  	v15 =	vsub.s32 v12, v15;
	v53 =	vand.u32 $0xFF800000, v52  }
0xb3: {  	v54 =	vadd.f32 $1.000000000e+00, v15;
	v17 =	vsub.s32 v13, v53  }
0xb4: {  	v55 =	vadd.f32 $1.000000000e+00, v17  }
0xb5: {  	(erf) = vrcp.f32 v54  }
0xb6: {  	(erf) = vrcp.f32 v55;
	_ =	sdelay $0x7  }
0xb7: {  	v15 =	vadd.f32 $-1.000000000e+00, v15;
	v17 =	vadd.f32 $-1.000000000e+00, v17;
	v18 =	vpop (erf)  }
0xb8: {  	v56 =	vpop (erf)  }
0xb9: {  	v15 =	vmul.f32 v18, v15;
	v17 =	vmul.f32 v56, v17;
	_ =	sdelay $0x1  }
0xba: {  	v57 =	vmul.f32 v15, v15;
	v58 =	vmul.f32 v17, v17  }
0xbb: {  	v60 =	vld [tilespmem:s31+$0x10]  }
0xbc: {  	v59 =	vmul.f32 $1.428571490e-01, v57;
	v61 =	vmul.f32 $1.428571490e-01, v58;
	_ =	sdelay $0x1  }
0xbd: {  	v20 =	vadd.f32 $2.000000030e-01, v59;
	v22 =	vadd.f32 $2.000000030e-01, v61;
	_ =	sdelay $0x1  }
0xbe: {  	v23 =	vsub.f32 v12, v60;
	v20 =	vmul.f32 v20, v57;
	v22 =	vmul.f32 v22, v58  }
0xbf: {  	v14 =	vshra.s32 v14, $0x17  }
0xc0: {  	v23 =	vand.u32 $0x7FFFFFFF, v23;
	v20 =	vadd.f32 $3.333333430e-01, v20;
	v22 =	vadd.f32 $3.333333430e-01, v22  }
0xc1: {  	v14 =	vcvt.s32.f32 v14;
	v62 =	vmul.f32 $1.000000000e+01, v23  }
0xc2: {  	v16 =	vshra.s32 v52, $0x17;
	v18 =	vmul.f32 v20, v57;
	v19 =	vmul.f32 v22, v58  }
0xc3: {  	v16 =	vcvt.s32.f32 v16;
	v15 =	vadd.f32 v15, v15;
	v17 =	vadd.f32 v17, v17  }
0xc4: {  	v14 =	vmul.f32 $6.931471820e-01, v14;
	v18 =	vadd.f32 $1.000000000e+00, v18;
	v19 =	vadd.f32 $1.000000000e+00, v19  }
0xc5: {  	v16 =	vmul.f32 $6.931471820e-01, v16;
	v20 =	vtrunc.f32 v62  }
0xc6: {  	v15 =	vmul.f32 v18, v15;
	v17 =	vmul.f32 v19, v17  }
0xc7: {  	v63 =	vcvt.f32.s32 v20  }
0xc8: {  	v14 =	vadd.f32 v15, v14;
	v15 =	vadd.f32 v17, v16  }
0xc9: {  	vm14 =	vgt.f32 v12, $0.0e+00;
	vm15 =	vgt.f32 v13, $0.0e+00;
	vm13 =	vlt.s32 v63, $0x9  }
0xca: {  	v12 =	vnsel vm13, $0x9, v63;
	v13 =	vnsel vm14, $0xC2C80000, v14;
	v14 =	vnsel vm15, $0xC2C80000, v15  }
0xcb: {  	v12 =	vshll.u32 v12, $0x4;
	v13 =	vsub.f32 v14, v13  }
0xcc: {  	v12 =	vor.u32 v2, v12  }
0xcd: {  	v13 =	vmul.f32 v13, v60;
	_ =	sdelay $0x1  }
0xce: {  	v13 =	vsub.f32 v13, v14;
	_ =	sdelay $0x1  }
0xcf: {  	s4 =	simm.s32 $0x0;
	[tilespmem:v12+s20+$0x0] =	vst.idx.add.f32.msk $0xffff, v13  }
.LBB2_3:
0xd0: {  	s4 =	sadd.s32 $0x4, s4;
	[tilespmem:v12+s21+$0x0] =	vst.idx.add.f32.msk $0xffff, v1;
	s31 =	sadd.s32 $0x40, s31;
	s30 =	sadd.s32 $0x40, s30  }
0xd1: {  	v12 =	vld [tilespmem:s30+$0xFFFFFFE0];
	p0 =	slt.u32 s4, $0x3FC;
	_ =	sdelay $0x4  }
0xd2: {  	v13 =	vsub.f32 $1.000000000e+00, v12;
	v14 =	vadd.s32 $0xC0CAFB0D, v12  }
0xd3: {  	v15 =	vshra.s32 v14, $0x17;
	v14 =	vand.u32 $0xFF800000, v14  }
0xd4: {  	v14 =	vsub.s32 v12, v14;
	v15 =	vcvt.s32.f32 v15;
	v16 =	vadd.s32 $0xC0CAFB0D, v13  }
0xd5: {  	v17 =	vadd.f32 $1.000000000e+00, v14;
	v18 =	vshra.s32 v16, $0x17;
	v16 =	vand.u32 $0xFF800000, v16  }
0xd6: {  	v16 =	vsub.s32 v13, v16;
	v18 =	vcvt.s32.f32 v18  }
0xd7: {  	v19 =	vadd.f32 $1.000000000e+00, v16;
	(erf) = vrcp.f32 v17;
	_ =	sdelay $0x1  }
0xd8: {  	(erf) = vrcp.f32 v19;
	_ =	sdelay $0x5  }
0xd9: {  	v14 =	vadd.f32 $-1.000000000e+00, v14  }
0xda: {  	v17 =	vpop (erf)  }
0xdb: {  	v16 =	vadd.f32 $-1.000000000e+00, v16;
	v14 =	vmul.f32 v17, v14  }
0xdc: {  	v17 =	vpop (erf)  }
0xdd: {  	v19 =	vmul.f32 v14, v14;
	v16 =	vmul.f32 v17, v16;
	_ =	sdelay $0x1  }
0xde: {  	v17 =	vmul.f32 $1.428571490e-01, v19;
	v20 =	vmul.f32 v16, v16;
	_ =	sdelay $0x1  }
0xdf: {  	v17 =	vadd.f32 $2.000000030e-01, v17;
	v21 =	vmul.f32 $1.428571490e-01, v20;
	_ =	sdelay $0x1  }
0xe0: {  	v22 =	vld [tilespmem:s31+$0xFFFFFFE0];
	v17 =	vmul.f32 v17, v19;
	v21 =	vadd.f32 $2.000000030e-01, v21;
	_ =	sdelay $0x1  }
0xe1: {  	v17 =	vadd.f32 $3.333333430e-01, v17;
	v21 =	vmul.f32 v21, v20;
	_ =	sdelay $0x1  }
0xe2: {  	v17 =	vmul.f32 v17, v19;
	v19 =	vadd.f32 $3.333333430e-01, v21  }
0xe3: {  	v21 =	vsub.f32 v12, v22  }
0xe4: {  	v14 =	vadd.f32 v14, v14;
	v17 =	vadd.f32 $1.000000000e+00, v17;
	v19 =	vmul.f32 v19, v20  }
0xe5: {  	v15 =	vmul.f32 $6.931471820e-01, v15;
	v16 =	vadd.f32 v16, v16;
	v20 =	vand.u32 $0x7FFFFFFF, v21  }
0xe6: {  	v14 =	vmul.f32 v17, v14;
	v17 =	vadd.f32 $1.000000000e+00, v19;
	v19 =	vmul.f32 $1.000000000e+01, v20  }
0xe7: {  	v18 =	vmul.f32 $6.931471820e-01, v18  }
0xe8: {  	v14 =	vadd.f32 v14, v15;
	v15 =	vmul.f32 v17, v16;
	v16 =	vtrunc.f32 v19  }
0xe9: {  	v16 =	vcvt.f32.s32 v16  }
0xea: {  	v15 =	vadd.f32 v15, v18  }
0xeb: {  	vm0 =	vgt.f32 v12, $0.0e+00;
	vm1 =	vgt.f32 v13, $0.0e+00;
	vm2 =	vlt.s32 v16, $0x9  }
0xec: {  	v12 =	vnsel vm0, $0xC2C80000, v14;
	v13 =	vnsel vm1, $0xC2C80000, v15;
	v14 =	vnsel vm2, $0x9, v16  }
0xed: {  	v12 =	vsub.f32 v13, v12;
	v14 =	vshll.u32 v14, $0x4  }
0xee: {  	v14 =	vor.u32 v2, v14  }
0xef: {  	v12 =	vmul.f32 v12, v22;
	_ =	sdelay $0x1  }
0xf0: {  	v12 =	vsub.f32 v12, v13;
	_ =	sdelay $0x1  }
0xf1: {  	[tilespmem:v14+s20+$0x0] =	vst.idx.add.f32.msk $0xffff, v12  }
0xf2: {  	[tilespmem:v14+s21+$0x0] =	vst.idx.add.f32.msk $0xffff, v1  }
0xf3: {  	v12 =	vld [tilespmem:s30+$0xFFFFFFF0];
	_ =	sdelay $0x4  }
0xf4: {  	v13 =	vsub.f32 $1.000000000e+00, v12;
	v14 =	vadd.s32 $0xC0CAFB0D, v12  }
0xf5: {  	v15 =	vshra.s32 v14, $0x17;
	v14 =	vand.u32 $0xFF800000, v14  }
0xf6: {  	v14 =	vsub.s32 v12, v14;
	v16 =	vadd.s32 $0xC0CAFB0D, v13  }
0xf7: {  	v17 =	vadd.f32 $1.000000000e+00, v14;
	v18 =	vshra.s32 v16, $0x17;
	v16 =	vand.u32 $0xFF800000, v16  }
0xf8: {  	v16 =	vsub.s32 v13, v16;
	v18 =	vcvt.s32.f32 v18  }
0xf9: {  	v19 =	vadd.f32 $1.000000000e+00, v16;
	(erf) = vrcp.f32 v17;
	_ =	sdelay $0x1  }
0xfa: {  	(erf) = vrcp.f32 v19;
	_ =	sdelay $0x5  }
0xfb: {  	v14 =	vadd.f32 $-1.000000000e+00, v14  }
0xfc: {  	v17 =	vpop (erf)  }
0xfd: {  	v16 =	vadd.f32 $-1.000000000e+00, v16;
	v14 =	vmul.f32 v17, v14  }
0xfe: {  	v17 =	vpop (erf)  }
0xff: {  	v19 =	vmul.f32 v14, v14;
	v16 =	vmul.f32 v17, v16;
	_ =	sdelay $0x1  }
0x100: {  	v17 =	vmul.f32 $1.428571490e-01, v19;
	v20 =	vmul.f32 v16, v16;
	_ =	sdelay $0x1  }
0x101: {  	v17 =	vadd.f32 $2.000000030e-01, v17;
	v21 =	vmul.f32 $1.428571490e-01, v20;
	_ =	sdelay $0x1  }
0x102: {  	v22 =	vld [tilespmem:s31+$0xFFFFFFF0];
	v17 =	vmul.f32 v17, v19;
	v21 =	vadd.f32 $2.000000030e-01, v21;
	_ =	sdelay $0x1  }
0x103: {  	v17 =	vadd.f32 $3.333333430e-01, v17;
	v21 =	vmul.f32 v21, v20;
	_ =	sdelay $0x1  }
0x104: {  	v17 =	vmul.f32 v17, v19;
	v19 =	vadd.f32 $3.333333430e-01, v21  }
0x105: {  	v15 =	vcvt.s32.f32 v15;
	v21 =	vsub.f32 v12, v22  }
0x106: {  	v14 =	vadd.f32 v14, v14;
	v17 =	vadd.f32 $1.000000000e+00, v17;
	v19 =	vmul.f32 v19, v20  }
0x107: {  	v15 =	vmul.f32 $6.931471820e-01, v15;
	v16 =	vadd.f32 v16, v16;
	v20 =	vand.u32 $0x7FFFFFFF, v21  }
0x108: {  	v14 =	vmul.f32 v17, v14;
	v17 =	vadd.f32 $1.000000000e+00, v19;
	v19 =	vmul.f32 $1.000000000e+01, v20  }
0x109: {  	v18 =	vmul.f32 $6.931471820e-01, v18  }
0x10a: {  	v14 =	vadd.f32 v14, v15;
	v15 =	vmul.f32 v17, v16;
	v16 =	vtrunc.f32 v19  }
0x10b: {  	v16 =	vcvt.f32.s32 v16  }
0x10c: {  	v15 =	vadd.f32 v15, v18  }
0x10d: {  	vm0 =	vgt.f32 v12, $0.0e+00;
	vm1 =	vgt.f32 v13, $0.0e+00;
	vm2 =	vlt.s32 v16, $0x9  }
0x10e: {  	v12 =	vnsel vm0, $0xC2C80000, v14;
	v13 =	vnsel vm1, $0xC2C80000, v15;
	v14 =	vnsel vm2, $0x9, v16  }
0x10f: {  	v12 =	vsub.f32 v13, v12;
	v14 =	vshll.u32 v14, $0x4  }
0x110: {  	v14 =	vor.u32 v2, v14  }
0x111: {  	v12 =	vmul.f32 v12, v22;
	_ =	sdelay $0x1  }
0x112: {  	v12 =	vsub.f32 v12, v13;
	_ =	sdelay $0x1  }
0x113: {  	[tilespmem:v14+s20+$0x0] =	vst.idx.add.f32.msk $0xffff, v12  }
0x114: {  	[tilespmem:v14+s21+$0x0] =	vst.idx.add.f32.msk $0xffff, v1  }
0x115: {  	v12 =	vld [tilespmem:s30+$0x0];
	_ =	sdelay $0x4  }
0x116: {  	v13 =	vsub.f32 $1.000000000e+00, v12;
	v14 =	vadd.s32 $0xC0CAFB0D, v12  }
0x117: {  	v15 =	vshra.s32 v14, $0x17;
	v14 =	vand.u32 $0xFF800000, v14  }
0x118: {  	v14 =	vsub.s32 v12, v14;
	v15 =	vcvt.s32.f32 v15;
	v16 =	vadd.s32 $0xC0CAFB0D, v13  }
0x119: {  	v17 =	vadd.f32 $1.000000000e+00, v14;
	v18 =	vshra.s32 v16, $0x17;
	v16 =	vand.u32 $0xFF800000, v16  }
0x11a: {  	v16 =	vsub.s32 v13, v16;
	v18 =	vcvt.s32.f32 v18  }
0x11b: {  	v19 =	vadd.f32 $1.000000000e+00, v16;
	(erf) = vrcp.f32 v17;
	_ =	sdelay $0x1  }
0x11c: {  	(erf) = vrcp.f32 v19;
	_ =	sdelay $0x5  }
0x11d: {  	v14 =	vadd.f32 $-1.000000000e+00, v14  }
0x11e: {  	v17 =	vpop (erf)  }
0x11f: {  	v16 =	vadd.f32 $-1.000000000e+00, v16;
	v14 =	vmul.f32 v17, v14  }
0x120: {  	v17 =	vpop (erf)  }
0x121: {  	v19 =	vmul.f32 v14, v14;
	v16 =	vmul.f32 v17, v16;
	_ =	sdelay $0x1  }
0x122: {  	v17 =	vmul.f32 $1.428571490e-01, v19;
	v20 =	vmul.f32 v16, v16;
	_ =	sdelay $0x1  }
0x123: {  	v17 =	vadd.f32 $2.000000030e-01, v17;
	v21 =	vmul.f32 $1.428571490e-01, v20;
	_ =	sdelay $0x1  }
0x124: {  	v22 =	vld [tilespmem:s31+$0x0];
	v17 =	vmul.f32 v17, v19;
	v21 =	vadd.f32 $2.000000030e-01, v21;
	_ =	sdelay $0x1  }
0x125: {  	v17 =	vadd.f32 $3.333333430e-01, v17;
	v21 =	vmul.f32 v21, v20;
	_ =	sdelay $0x1  }
0x126: {  	v17 =	vmul.f32 v17, v19;
	v19 =	vadd.f32 $3.333333430e-01, v21  }
0x127: {  	v21 =	vsub.f32 v12, v22  }
0x128: {  	v14 =	vadd.f32 v14, v14;
	v17 =	vadd.f32 $1.000000000e+00, v17;
	v19 =	vmul.f32 v19, v20  }
0x129: {  	v15 =	vmul.f32 $6.931471820e-01, v15;
	v16 =	vadd.f32 v16, v16;
	v20 =	vand.u32 $0x7FFFFFFF, v21  }
0x12a: {  	v14 =	vmul.f32 v17, v14;
	v17 =	vadd.f32 $1.000000000e+00, v19;
	v19 =	vmul.f32 $1.000000000e+01, v20  }
0x12b: {  	v18 =	vmul.f32 $6.931471820e-01, v18  }
0x12c: {  	v14 =	vadd.f32 v14, v15;
	v15 =	vmul.f32 v17, v16;
	v16 =	vtrunc.f32 v19  }
0x12d: {  	v16 =	vcvt.f32.s32 v16  }
0x12e: {  	v15 =	vadd.f32 v15, v18  }
0x12f: {  	vm0 =	vgt.f32 v12, $0.0e+00;
	vm1 =	vgt.f32 v13, $0.0e+00;
	vm2 =	vlt.s32 v16, $0x9  }
0x130: {  	v12 =	vnsel vm0, $0xC2C80000, v14;
	v13 =	vnsel vm1, $0xC2C80000, v15;
	v14 =	vnsel vm2, $0x9, v16  }
0x131: {  	v12 =	vsub.f32 v13, v12;
	v14 =	vshll.u32 v14, $0x4  }
0x132: {  	v14 =	vor.u32 v2, v14  }
0x133: {  	v12 =	vmul.f32 v12, v22;
	_ =	sdelay $0x1  }
0x134: {  	v12 =	vsub.f32 v12, v13;
	_ =	sdelay $0x1  }
0x135: {  	[tilespmem:v14+s20+$0x0] =	vst.idx.add.f32.msk $0xffff, v12  }
0x136: {  	[tilespmem:v14+s21+$0x0] =	vst.idx.add.f32.msk $0xffff, v1  }
0x137: {  	v12 =	vld [tilespmem:s30+$0x10]  }
0x138: {  	v13 =	vld [tilespmem:s31+$0x10];
	_ =	sdelay $0x3  }
0x139: {  	v14 =	vsub.f32 $1.000000000e+00, v12;
	v15 =	vadd.s32 $0xC0CAFB0D, v12  }
0x13a: {  	v16 =	vshra.s32 v15, $0x17;
	v15 =	vand.u32 $0xFF800000, v15;
	v17 =	vsub.f32 v12, v13  }
0x13b: {  	v15 =	vsub.s32 v12, v15;
	v18 =	vadd.s32 $0xC0CAFB0D, v14  }
0x13c: {  	v19 =	vadd.f32 $1.000000000e+00, v15;
	v20 =	vshra.s32 v18, $0x17;
	v18 =	vand.u32 $0xFF800000, v18  }
0x13d: {  	v17 =	vand.u32 $0x7FFFFFFF, v17;
	v18 =	vsub.s32 v14, v18;
	v20 =	vcvt.s32.f32 v20  }
0x13e: {  	v17 =	vmul.f32 $1.000000000e+01, v17;
	v21 =	vadd.f32 $1.000000000e+00, v18;
	(erf) = vrcp.f32 v19;
	_ =	sdelay $0x1  }
0x13f: {  	v17 =	vtrunc.f32 v17;
	(erf) = vrcp.f32 v21  }
0x140: {  	v17 =	vcvt.f32.s32 v17;
	_ =	sdelay $0x1  }
0x141: {  	vm0 =	vlt.s32 v17, $0x9  }
0x142: {  	v17 =	vnsel vm0, $0x9, v17  }
0x143: {  	v17 =	vshll.u32 v17, $0x4  }
0x144: {  	v15 =	vadd.f32 $-1.000000000e+00, v15  }
0x145: {  	v19 =	vpop (erf)  }
0x146: {  	v18 =	vadd.f32 $-1.000000000e+00, v18;
	v15 =	vmul.f32 v19, v15  }
0x147: {  	v19 =	vpop (erf)  }
0x148: {  	v21 =	vmul.f32 v15, v15;
	v18 =	vmul.f32 v19, v18;
	_ =	sdelay $0x1  }
0x149: {  	v19 =	vmul.f32 $1.428571490e-01, v21;
	v22 =	vmul.f32 v18, v18;
	_ =	sdelay $0x1  }
0x14a: {  	v19 =	vadd.f32 $2.000000030e-01, v19;
	v23 =	vmul.f32 $1.428571490e-01, v22;
	_ =	sdelay $0x1  }
0x14b: {  	v19 =	vmul.f32 v19, v21;
	v23 =	vadd.f32 $2.000000030e-01, v23;
	_ =	sdelay $0x1  }
0x14c: {  	v19 =	vadd.f32 $3.333333430e-01, v19;
	v23 =	vmul.f32 v23, v22;
	_ =	sdelay $0x1  }
0x14d: {  	v19 =	vmul.f32 v19, v21;
	v21 =	vadd.f32 $3.333333430e-01, v23  }
0x14e: {  	v16 =	vcvt.s32.f32 v16  }
0x14f: {  	v15 =	vadd.f32 v15, v15;
	v19 =	vadd.f32 $1.000000000e+00, v19;
	v21 =	vmul.f32 v21, v22  }
0x150: {  	v16 =	vmul.f32 $6.931471820e-01, v16  }
0x151: {  	v18 =	vadd.f32 v18, v18;
	v15 =	vmul.f32 v19, v15;
	v19 =	vadd.f32 $1.000000000e+00, v21;
	_ =	sdelay $0x1  }
0x152: {  	v15 =	vadd.f32 v15, v16;
	v16 =	vmul.f32 $6.931471820e-01, v20;
	v18 =	vmul.f32 v19, v18;
	_ =	sdelay $0x1  }
0x153: {  	v16 =	vadd.f32 v18, v16  }
0x154: {  	vm1 =	vgt.f32 v14, $0.0e+00;
	vm0 =	vgt.f32 v12, $0.0e+00  }
0x155: {  	v12 =	vnsel vm0, $0xC2C80000, v15;
	v14 =	vnsel vm1, $0xC2C80000, v16  }
0x156: {  	v15 =	vsub.f32 v14, v12  }
0x157: {  	v12 =	vor.u32 v2, v17  }
.Ltmp0:
0x158: {  	v13 =	vmul.f32 v15, v13;
	(pc) =	sbr.rel @p0 .LBB2_3-.Ltmp0, $3  }
0x159: {  	_ = 	snop  }
0x15a: {  	v13 =	vsub.f32 v13, v14;
	_ =	sdelay $0x1  }
0x15b: {  	[tilespmem:v12+s20+$0x0] =	vst.idx.add.f32.msk $0xffff, v13  }
0x15c: {  	_ = 	snop  }
0x15d: {  	p0 =	seq.s32 s28, $0xF  }
0x15e: {  	s4 =	sadd.s32 @!p0 s29, s9  }
0x15f: {  	s4 =	sshrl.u32 @!p0 s4, $0x3  }
0x160: {  	[tilespmem:v12+s21+$0x0] =	vst.idx.add.f32.msk $0xffff, v1;
	s30 =	simm.s32 @!p0 $0x0;
	s29 =	sadd.s32 @!p0 s1, s4  }
0x161: {  	[tilespmem:s30], [sflag:$0x1] =	stream.linear.gather @!p0 [hbm4b:s29+s30], $0x4000, $0x38;
	[tilespmem:$0x10280] =	vst v63  }
0x162: {  	s4 =	sadd.s32 @!p0 s2, s4;
	s29 =	simm.s32 @!p0 $0x8000  }
0x163: {  	[tilespmem:s29], [sflag:$0x3] =	stream.linear.gather @!p0 [hbm4b:s4+s30], $0x4000, $0x38;
	[tilespmem:$0x10280] =	vst v63  }
0x164: {  	_ =	swait.ge [sflag:s22], $0x4000  }
0x165: {  	[sflag:s22] =	ssyncset.done $0x0  }
0x166: {  	[sflag:s22] =	ssyncadd.s32 $0xFFFFC000  }
0x167: {  	_ =	swait.ge [sflag:s23], $0x4000  }
0x168: {  	[sflag:s23] =	ssyncset.done $0x0  }
0x169: {  	s31 =	simm.s32 $0x0;
	[sflag:s23] =	ssyncadd.s32 $0xFFFFC000  }
0x16a: {  	v12 =	vld [tilespmem:s31+$0x4000];
	_ =	sdelay $0x4  }
0x16b: {  	v13 =	vsub.f32 $1.000000000e+00, v12  }
0x16c: {  	v14 =	vadd.s32 $0xC0CAFB0D, v12  }
0x16d: {  	v15 =	vand.u32 $0xFF800000, v14;
	v16 =	vadd.s32 $0xC0CAFB0D, v13  }
0x16e: {  	v15 =	vsub.s32 v12, v15;
	v18 =	vand.u32 $0xFF800000, v16  }
0x16f: {  	v17 =	vadd.f32 $1.000000000e+00, v15;
	v18 =	vsub.s32 v13, v18  }
0x170: {  	v19 =	vadd.f32 $1.000000000e+00, v18  }
0x171: {  	(erf) = vrcp.f32 v17  }
0x172: {  	(erf) = vrcp.f32 v19;
	_ =	sdelay $0x6  }
0x173: {  	v15 =	vadd.f32 $-1.000000000e+00, v15  }
0x174: {  	v55 =	vadd.f32 $-1.000000000e+00, v18;
	v17 =	vpop (erf)  }
0x175: {  	v15 =	vmul.f32 v17, v15;
	v56 =	vpop (erf)  }
0x176: {  	v17 =	vmul.f32 v56, v55  }
0x177: {  	v57 =	vmul.f32 v15, v15  }
0x178: {  	v20 =	vmul.f32 v17, v17  }
0x179: {  	v58 =	vmul.f32 $1.428571490e-01, v57  }
0x17a: {  	v21 =	vmul.f32 $1.428571490e-01, v20  }
0x17b: {  	v22 =	vld [tilespmem:s31+$0xC000];
	v18 =	vadd.f32 $2.000000030e-01, v58  }
0x17c: {  	v21 =	vadd.f32 $2.000000030e-01, v21  }
0x17d: {  	v18 =	vmul.f32 v18, v57  }
0x17e: {  	v21 =	vmul.f32 v21, v20  }
0x17f: {  	v18 =	vadd.f32 $3.333333430e-01, v18  }
0x180: {  	v60 =	vsub.f32 v12, v22;
	v14 =	vshra.s32 v14, $0x17;
	v59 =	vadd.f32 $3.333333430e-01, v21  }
0x181: {  	v14 =	vcvt.s32.f32 v14;
	v16 =	vshra.s32 v16, $0x17;
	v18 =	vmul.f32 v18, v57  }
0x182: {  	v61 =	vand.u32 $0x7FFFFFFF, v60;
	v16 =	vcvt.s32.f32 v16;
	v19 =	vmul.f32 v59, v20  }
0x183: {  	v14 =	vmul.f32 $6.931471820e-01, v14;
	v15 =	vadd.f32 v15, v15;
	v18 =	vadd.f32 $1.000000000e+00, v18  }
0x184: {  	v17 =	vadd.f32 v17, v17;
	v20 =	vmul.f32 $1.000000000e+01, v61;
	v19 =	vadd.f32 $1.000000000e+00, v19  }
0x185: {  	v16 =	vmul.f32 $6.931471820e-01, v16;
	v15 =	vmul.f32 v18, v15  }
0x186: {  	v62 =	vtrunc.f32 v20;
	v17 =	vmul.f32 v19, v17  }
0x187: {  	v18 =	vcvt.f32.s32 v62  }
0x188: {  	v14 =	vadd.f32 v15, v14;
	v15 =	vadd.f32 v17, v16  }
0x189: {  	vm0 =	vgt.f32 v12, $0.0e+00;
	vm1 =	vgt.f32 v13, $0.0e+00;
	vm2 =	vlt.s32 v18, $0x9  }
0x18a: {  	v12 =	vnsel vm0, $0xC2C80000, v14;
	v14 =	vnsel vm2, $0x9, v18;
	v13 =	vnsel vm1, $0xC2C80000, v15  }
0x18b: {  	v14 =	vshll.u32 v14, $0x4;
	v12 =	vsub.f32 v13, v12  }
0x18c: {  	v14 =	vor.u32 v2, v14  }
0x18d: {  	v12 =	vmul.f32 v12, v22;
	_ =	sdelay $0x1  }
0x18e: {  	v12 =	vsub.f32 v12, v13;
	_ =	sdelay $0x1  }
0x18f: {  	[tilespmem:v14+s20+$0x0] =	vst.idx.add.f32.msk $0xffff, v12  }
0x190: {  	[tilespmem:v14+s21+$0x0] =	vst.idx.add.f32.msk $0xffff, v1  }
0x191: {  	v12 =	vld [tilespmem:s31+$0x4010];
	_ =	sdelay $0x4  }
0x192: {  	v13 =	vsub.f32 $1.000000000e+00, v12  }
0x193: {  	v14 =	vadd.s32 $0xC0CAFB0D, v12  }
0x194: {  	v15 =	vand.u32 $0xFF800000, v14;
	v63 =	vadd.s32 $0xC0CAFB0D, v13  }
0x195: {  	v15 =	vsub.s32 v12, v15;
	v24 =	vand.u32 $0xFF800000, v63  }
0x196: {  	v23 =	vadd.f32 $1.000000000e+00, v15;
	v18 =	vsub.s32 v13, v24  }
0x197: {  	v25 =	vadd.f32 $1.000000000e+00, v18  }
0x198: {  	(erf) = vrcp.f32 v23  }
0x199: {  	(erf) = vrcp.f32 v25;
	_ =	sdelay $0x7  }
0x19a: {  	v15 =	vadd.f32 $-1.000000000e+00, v15;
	v26 =	vadd.f32 $-1.000000000e+00, v18;
	v17 =	vpop (erf)  }
0x19b: {  	v27 =	vpop (erf)  }
0x19c: {  	v15 =	vmul.f32 v17, v15;
	v17 =	vmul.f32 v27, v26;
	_ =	sdelay $0x1  }
0x19d: {  	v28 =	vmul.f32 v15, v15;
	v30 =	vmul.f32 v17, v17  }
0x19e: {  	v32 =	vld [tilespmem:s31+$0xC010]  }
0x19f: {  	v29 =	vmul.f32 $1.428571490e-01, v28;
	v31 =	vmul.f32 $1.428571490e-01, v30;
	_ =	sdelay $0x1  }
0x1a0: {  	v18 =	vadd.f32 $2.000000030e-01, v29;
	v21 =	vadd.f32 $2.000000030e-01, v31;
	_ =	sdelay $0x1  }
0x1a1: {  	v34 =	vsub.f32 v12, v32;
	v18 =	vmul.f32 v18, v28;
	v21 =	vmul.f32 v21, v30  }
0x1a2: {  	v14 =	vshra.s32 v14, $0x17  }
0x1a3: {  	v35 =	vand.u32 $0x7FFFFFFF, v34;
	v18 =	vadd.f32 $3.333333430e-01, v18;
	v33 =	vadd.f32 $3.333333430e-01, v21  }
0x1a4: {  	v14 =	vcvt.s32.f32 v14;
	v20 =	vmul.f32 $1.000000000e+01, v35  }
0x1a5: {  	v16 =	vshra.s32 v63, $0x17;
	v18 =	vmul.f32 v18, v28;
	v19 =	vmul.f32 v33, v30  }
0x1a6: {  	v16 =	vcvt.s32.f32 v16;
	v15 =	vadd.f32 v15, v15;
	v17 =	vadd.f32 v17, v17  }
0x1a7: {  	v14 =	vmul.f32 $6.931471820e-01, v14;
	v18 =	vadd.f32 $1.000000000e+00, v18;
	v19 =	vadd.f32 $1.000000000e+00, v19  }
0x1a8: {  	v36 =	vtrunc.f32 v20;
	v16 =	vmul.f32 $6.931471820e-01, v16  }
0x1a9: {  	v15 =	vmul.f32 v18, v15;
	v17 =	vmul.f32 v19, v17  }
0x1aa: {  	v18 =	vcvt.f32.s32 v36  }
0x1ab: {  	v14 =	vadd.f32 v15, v14;
	v15 =	vadd.f32 v17, v16  }
0x1ac: {  	vm7 =	vgt.f32 v12, $0.0e+00;
	vm8 =	vgt.f32 v13, $0.0e+00;
	vm9 =	vlt.s32 v18, $0x9  }
0x1ad: {  	v12 =	vnsel vm7, $0xC2C80000, v14;
	v14 =	vnsel vm9, $0x9, v18;
	v13 =	vnsel vm8, $0xC2C80000, v15  }
0x1ae: {  	v14 =	vshll.u32 v14, $0x4;
	v12 =	vsub.f32 v13, v12  }
0x1af: {  	v14 =	vor.u32 v2, v14  }
0x1b0: {  	v12 =	vmul.f32 v12, v32;
	_ =	sdelay $0x1  }
0x1b1: {  	v12 =	vsub.f32 v12, v13;
	_ =	sdelay $0x1  }
0x1b2: {  	[tilespmem:v14+s20+$0x0] =	vst.idx.add.f32.msk $0xffff, v12  }
0x1b3: {  	[tilespmem:v14+s21+$0x0] =	vst.idx.add.f32.msk $0xffff, v1  }
0x1b4: {  	v12 =	vld [tilespmem:s31+$0x4020];
	_ =	sdelay $0x4  }
0x1b5: {  	v13 =	vsub.f32 $1.000000000e+00, v12  }
0x1b6: {  	v14 =	vadd.s32 $0xC0CAFB0D, v12  }
0x1b7: {  	v15 =	vand.u32 $0xFF800000, v14;
	v37 =	vadd.s32 $0xC0CAFB0D, v13  }
0x1b8: {  	v15 =	vsub.s32 v12, v15;
	v39 =	vand.u32 $0xFF800000, v37  }
0x1b9: {  	v38 =	vadd.f32 $1.000000000e+00, v15;
	v18 =	vsub.s32 v13, v39  }
0x1ba: {  	v40 =	vadd.f32 $1.000000000e+00, v18  }
0x1bb: {  	(erf) = vrcp.f32 v38  }
0x1bc: {  	(erf) = vrcp.f32 v40;
	_ =	sdelay $0x7  }
0x1bd: {  	v15 =	vadd.f32 $-1.000000000e+00, v15;
	v41 =	vadd.f32 $-1.000000000e+00, v18;
	v17 =	vpop (erf)  }
0x1be: {  	v42 =	vpop (erf)  }
0x1bf: {  	v15 =	vmul.f32 v17, v15;
	v17 =	vmul.f32 v42, v41;
	_ =	sdelay $0x1  }
0x1c0: {  	v43 =	vmul.f32 v15, v15;
	v45 =	vmul.f32 v17, v17  }
0x1c1: {  	v47 =	vld [tilespmem:s31+$0xC020]  }
0x1c2: {  	v44 =	vmul.f32 $1.428571490e-01, v43;
	v46 =	vmul.f32 $1.428571490e-01, v45;
	_ =	sdelay $0x1  }
0x1c3: {  	v18 =	vadd.f32 $2.000000030e-01, v44;
	v21 =	vadd.f32 $2.000000030e-01, v46;
	_ =	sdelay $0x1  }
0x1c4: {  	v49 =	vsub.f32 v12, v47;
	v18 =	vmul.f32 v18, v43;
	v21 =	vmul.f32 v21, v45  }
0x1c5: {  	v14 =	vshra.s32 v14, $0x17  }
0x1c6: {  	v50 =	vand.u32 $0x7FFFFFFF, v49;
	v18 =	vadd.f32 $3.333333430e-01, v18;
	v48 =	vadd.f32 $3.333333430e-01, v21  }
0x1c7: {  	v14 =	vcvt.s32.f32 v14;
	v20 =	vmul.f32 $1.000000000e+01, v50  }
0x1c8: {  	v16 =	vshra.s32 v37, $0x17;
	v18 =	vmul.f32 v18, v43;
	v19 =	vmul.f32 v48, v45  }
0x1c9: {  	v16 =	vcvt.s32.f32 v16;
	v15 =	vadd.f32 v15, v15;
	v17 =	vadd.f32 v17, v17  }
0x1ca: {  	v14 =	vmul.f32 $6.931471820e-01, v14;
	v18 =	vadd.f32 $1.000000000e+00, v18;
	v19 =	vadd.f32 $1.000000000e+00, v19  }
0x1cb: {  	v51 =	vtrunc.f32 v20;
	v16 =	vmul.f32 $6.931471820e-01, v16  }
0x1cc: {  	v15 =	vmul.f32 v18, v15;
	v17 =	vmul.f32 v19, v17  }
0x1cd: {  	v18 =	vcvt.f32.s32 v51  }
0x1ce: {  	v14 =	vadd.f32 v15, v14;
	v15 =	vadd.f32 v17, v16  }
0x1cf: {  	vm10 =	vgt.f32 v12, $0.0e+00;
	vm11 =	vgt.f32 v13, $0.0e+00;
	vm12 =	vlt.s32 v18, $0x9  }
0x1d0: {  	v12 =	vnsel vm10, $0xC2C80000, v14;
	v14 =	vnsel vm12, $0x9, v18;
	v13 =	vnsel vm11, $0xC2C80000, v15  }
0x1d1: {  	v14 =	vshll.u32 v14, $0x4;
	v12 =	vsub.f32 v13, v12  }
0x1d2: {  	v14 =	vor.u32 v2, v14  }
0x1d3: {  	v12 =	vmul.f32 v12, v47;
	_ =	sdelay $0x1  }
0x1d4: {  	v12 =	vsub.f32 v12, v13;
	_ =	sdelay $0x1  }
0x1d5: {  	[tilespmem:v14+s20+$0x0] =	vst.idx.add.f32.msk $0xffff, v12  }
0x1d6: {  	[tilespmem:v14+s21+$0x0] =	vst.idx.add.f32.msk $0xffff, v1  }
0x1d7: {  	v12 =	vld [tilespmem:s31+$0x4030];
	_ =	sdelay $0x4  }
0x1d8: {  	v13 =	vsub.f32 $1.000000000e+00, v12  }
0x1d9: {  	v14 =	vadd.s32 $0xC0CAFB0D, v12  }
0x1da: {  	v15 =	vand.u32 $0xFF800000, v14;
	v52 =	vadd.s32 $0xC0CAFB0D, v13  }
0x1db: {  	v15 =	vsub.s32 v12, v15;
	v53 =	vand.u32 $0xFF800000, v52  }
0x1dc: {  	v54 =	vadd.f32 $1.000000000e+00, v15;
	v17 =	vsub.s32 v13, v53  }
0x1dd: {  	v55 =	vadd.f32 $1.000000000e+00, v17  }
0x1de: {  	(erf) = vrcp.f32 v54  }
0x1df: {  	(erf) = vrcp.f32 v55;
	_ =	sdelay $0x7  }
0x1e0: {  	v15 =	vadd.f32 $-1.000000000e+00, v15;
	v17 =	vadd.f32 $-1.000000000e+00, v17;
	v18 =	vpop (erf)  }
0x1e1: {  	v56 =	vpop (erf)  }
0x1e2: {  	v15 =	vmul.f32 v18, v15;
	v17 =	vmul.f32 v56, v17;
	_ =	sdelay $0x1  }
0x1e3: {  	v57 =	vmul.f32 v15, v15;
	v58 =	vmul.f32 v17, v17  }
0x1e4: {  	v60 =	vld [tilespmem:s31+$0xC030]  }
0x1e5: {  	v59 =	vmul.f32 $1.428571490e-01, v57;
	v61 =	vmul.f32 $1.428571490e-01, v58;
	_ =	sdelay $0x1  }
0x1e6: {  	v20 =	vadd.f32 $2.000000030e-01, v59;
	v22 =	vadd.f32 $2.000000030e-01, v61;
	_ =	sdelay $0x1  }
0x1e7: {  	v23 =	vsub.f32 v12, v60;
	v20 =	vmul.f32 v20, v57;
	v22 =	vmul.f32 v22, v58  }
0x1e8: {  	v14 =	vshra.s32 v14, $0x17  }
0x1e9: {  	v23 =	vand.u32 $0x7FFFFFFF, v23;
	v20 =	vadd.f32 $3.333333430e-01, v20;
	v22 =	vadd.f32 $3.333333430e-01, v22  }
0x1ea: {  	v14 =	vcvt.s32.f32 v14;
	v62 =	vmul.f32 $1.000000000e+01, v23  }
0x1eb: {  	v16 =	vshra.s32 v52, $0x17;
	v18 =	vmul.f32 v20, v57;
	v19 =	vmul.f32 v22, v58  }
0x1ec: {  	v16 =	vcvt.s32.f32 v16;
	v15 =	vadd.f32 v15, v15;
	v17 =	vadd.f32 v17, v17  }
0x1ed: {  	v14 =	vmul.f32 $6.931471820e-01, v14;
	v18 =	vadd.f32 $1.000000000e+00, v18;
	v19 =	vadd.f32 $1.000000000e+00, v19  }
0x1ee: {  	v16 =	vmul.f32 $6.931471820e-01, v16;
	v20 =	vtrunc.f32 v62  }
0x1ef: {  	v15 =	vmul.f32 v18, v15;
	v17 =	vmul.f32 v19, v17  }
0x1f0: {  	v63 =	vcvt.f32.s32 v20  }
0x1f1: {  	v14 =	vadd.f32 v15, v14;
	v15 =	vadd.f32 v17, v16  }
0x1f2: {  	vm14 =	vgt.f32 v12, $0.0e+00;
	vm15 =	vgt.f32 v13, $0.0e+00;
	vm13 =	vlt.s32 v63, $0x9  }
0x1f3: {  	v12 =	vnsel vm13, $0x9, v63;
	v13 =	vnsel vm14, $0xC2C80000, v14;
	v14 =	vnsel vm15, $0xC2C80000, v15  }
0x1f4: {  	v12 =	vshll.u32 v12, $0x4;
	v13 =	vsub.f32 v14, v13  }
0x1f5: {  	v12 =	vor.u32 v2, v12  }
0x1f6: {  	v13 =	vmul.f32 v13, v60;
	_ =	sdelay $0x1  }
0x1f7: {  	v13 =	vsub.f32 v13, v14;
	_ =	sdelay $0x1  }
0x1f8: {  	s29 =	simm.s32 $0x4;
	s30 =	simm.s32 $0x100;
	[tilespmem:v12+s20+$0x0] =	vst.idx.add.f32.msk $0xffff, v13  }
.LBB2_5:
0x1f9: {  	s29 =	sadd.s32 $0x4, s29;
	s4 =	sshra.s32 s30, $0x2;
	[tilespmem:v12+s21+$0x0] =	vst.idx.add.f32.msk $0xffff, v1  }
0x1fa: {  	p0 =	slt.u32 s29, $0x3FC;
	v12 =	vld [tilespmem:s4+$0x4000];
	_ =	sdelay $0x4  }
0x1fb: {  	v13 =	vsub.f32 $1.000000000e+00, v12;
	v14 =	vadd.s32 $0xC0CAFB0D, v12  }
0x1fc: {  	v15 =	vshra.s32 v14, $0x17;
	v14 =	vand.u32 $0xFF800000, v14  }
0x1fd: {  	v14 =	vsub.s32 v12, v14;
	v15 =	vcvt.s32.f32 v15;
	v16 =	vadd.s32 $0xC0CAFB0D, v13  }
0x1fe: {  	v17 =	vadd.f32 $1.000000000e+00, v14;
	v18 =	vshra.s32 v16, $0x17;
	v16 =	vand.u32 $0xFF800000, v16  }
0x1ff: {  	v16 =	vsub.s32 v13, v16;
	v18 =	vcvt.s32.f32 v18  }
0x200: {  	v19 =	vadd.f32 $1.000000000e+00, v16;
	(erf) = vrcp.f32 v17;
	_ =	sdelay $0x1  }
0x201: {  	(erf) = vrcp.f32 v19;
	_ =	sdelay $0x5  }
0x202: {  	v14 =	vadd.f32 $-1.000000000e+00, v14  }
0x203: {  	v17 =	vpop (erf)  }
0x204: {  	v16 =	vadd.f32 $-1.000000000e+00, v16;
	v14 =	vmul.f32 v17, v14  }
0x205: {  	v17 =	vpop (erf)  }
0x206: {  	v19 =	vmul.f32 v14, v14;
	v16 =	vmul.f32 v17, v16;
	_ =	sdelay $0x1  }
0x207: {  	v17 =	vmul.f32 $1.428571490e-01, v19;
	v20 =	vmul.f32 v16, v16;
	_ =	sdelay $0x1  }
0x208: {  	v17 =	vadd.f32 $2.000000030e-01, v17;
	v21 =	vmul.f32 $1.428571490e-01, v20;
	_ =	sdelay $0x1  }
0x209: {  	v22 =	vld [tilespmem:s4+$0xC000];
	v17 =	vmul.f32 v17, v19;
	v21 =	vadd.f32 $2.000000030e-01, v21;
	_ =	sdelay $0x1  }
0x20a: {  	v17 =	vadd.f32 $3.333333430e-01, v17;
	v21 =	vmul.f32 v21, v20;
	_ =	sdelay $0x1  }
0x20b: {  	v17 =	vmul.f32 v17, v19;
	v19 =	vadd.f32 $3.333333430e-01, v21  }
0x20c: {  	v21 =	vsub.f32 v12, v22  }
0x20d: {  	v14 =	vadd.f32 v14, v14;
	v17 =	vadd.f32 $1.000000000e+00, v17;
	v19 =	vmul.f32 v19, v20  }
0x20e: {  	v15 =	vmul.f32 $6.931471820e-01, v15;
	v16 =	vadd.f32 v16, v16;
	v20 =	vand.u32 $0x7FFFFFFF, v21  }
0x20f: {  	v14 =	vmul.f32 v17, v14;
	v17 =	vadd.f32 $1.000000000e+00, v19;
	v19 =	vmul.f32 $1.000000000e+01, v20  }
0x210: {  	v18 =	vmul.f32 $6.931471820e-01, v18  }
0x211: {  	v14 =	vadd.f32 v14, v15;
	v15 =	vmul.f32 v17, v16;
	v16 =	vtrunc.f32 v19  }
0x212: {  	v16 =	vcvt.f32.s32 v16  }
0x213: {  	v15 =	vadd.f32 v15, v18  }
0x214: {  	vm0 =	vgt.f32 v12, $0.0e+00;
	vm1 =	vgt.f32 v13, $0.0e+00;
	vm2 =	vlt.s32 v16, $0x9  }
0x215: {  	v12 =	vnsel vm0, $0xC2C80000, v14;
	v13 =	vnsel vm1, $0xC2C80000, v15;
	v14 =	vnsel vm2, $0x9, v16  }
0x216: {  	v12 =	vsub.f32 v13, v12;
	v14 =	vshll.u32 v14, $0x4  }
0x217: {  	v14 =	vor.u32 v2, v14  }
0x218: {  	v12 =	vmul.f32 v12, v22;
	_ =	sdelay $0x1  }
0x219: {  	v12 =	vsub.f32 v12, v13;
	_ =	sdelay $0x1  }
0x21a: {  	[tilespmem:v14+s20+$0x0] =	vst.idx.add.f32.msk $0xffff, v12  }
0x21b: {  	[tilespmem:v14+s21+$0x0] =	vst.idx.add.f32.msk $0xffff, v1  }
0x21c: {  	v12 =	vld [tilespmem:s4+$0x4010];
	_ =	sdelay $0x4  }
0x21d: {  	v13 =	vsub.f32 $1.000000000e+00, v12;
	v14 =	vadd.s32 $0xC0CAFB0D, v12  }
0x21e: {  	v15 =	vshra.s32 v14, $0x17;
	v14 =	vand.u32 $0xFF800000, v14  }
0x21f: {  	v14 =	vsub.s32 v12, v14;
	v15 =	vcvt.s32.f32 v15;
	v16 =	vadd.s32 $0xC0CAFB0D, v13  }
0x220: {  	v17 =	vadd.f32 $1.000000000e+00, v14;
	v18 =	vshra.s32 v16, $0x17;
	v16 =	vand.u32 $0xFF800000, v16  }
0x221: {  	v16 =	vsub.s32 v13, v16;
	v18 =	vcvt.s32.f32 v18  }
0x222: {  	v19 =	vadd.f32 $1.000000000e+00, v16;
	(erf) = vrcp.f32 v17;
	_ =	sdelay $0x1  }
0x223: {  	(erf) = vrcp.f32 v19;
	_ =	sdelay $0x5  }
0x224: {  	v14 =	vadd.f32 $-1.000000000e+00, v14  }
0x225: {  	v17 =	vpop (erf)  }
0x226: {  	v16 =	vadd.f32 $-1.000000000e+00, v16;
	v14 =	vmul.f32 v17, v14  }
0x227: {  	v17 =	vpop (erf)  }
0x228: {  	v19 =	vmul.f32 v14, v14;
	v16 =	vmul.f32 v17, v16;
	_ =	sdelay $0x1  }
0x229: {  	v17 =	vmul.f32 $1.428571490e-01, v19;
	v20 =	vmul.f32 v16, v16;
	_ =	sdelay $0x1  }
0x22a: {  	v17 =	vadd.f32 $2.000000030e-01, v17;
	v21 =	vmul.f32 $1.428571490e-01, v20;
	_ =	sdelay $0x1  }
0x22b: {  	v22 =	vld [tilespmem:s4+$0xC010];
	v17 =	vmul.f32 v17, v19;
	v21 =	vadd.f32 $2.000000030e-01, v21;
	_ =	sdelay $0x1  }
0x22c: {  	v17 =	vadd.f32 $3.333333430e-01, v17;
	v21 =	vmul.f32 v21, v20;
	_ =	sdelay $0x1  }
0x22d: {  	v17 =	vmul.f32 v17, v19;
	v19 =	vadd.f32 $3.333333430e-01, v21  }
0x22e: {  	v21 =	vsub.f32 v12, v22  }
0x22f: {  	v14 =	vadd.f32 v14, v14;
	v17 =	vadd.f32 $1.000000000e+00, v17;
	v19 =	vmul.f32 v19, v20  }
0x230: {  	v15 =	vmul.f32 $6.931471820e-01, v15;
	v16 =	vadd.f32 v16, v16;
	v20 =	vand.u32 $0x7FFFFFFF, v21  }
0x231: {  	v14 =	vmul.f32 v17, v14;
	v17 =	vadd.f32 $1.000000000e+00, v19;
	v19 =	vmul.f32 $1.000000000e+01, v20  }
0x232: {  	v18 =	vmul.f32 $6.931471820e-01, v18  }
0x233: {  	v14 =	vadd.f32 v14, v15;
	v15 =	vmul.f32 v17, v16;
	v16 =	vtrunc.f32 v19  }
0x234: {  	v16 =	vcvt.f32.s32 v16  }
0x235: {  	v15 =	vadd.f32 v15, v18  }
0x236: {  	vm0 =	vgt.f32 v12, $0.0e+00;
	vm1 =	vgt.f32 v13, $0.0e+00;
	vm2 =	vlt.s32 v16, $0x9  }
0x237: {  	v12 =	vnsel vm0, $0xC2C80000, v14;
	v13 =	vnsel vm1, $0xC2C80000, v15;
	v14 =	vnsel vm2, $0x9, v16  }
0x238: {  	v12 =	vsub.f32 v13, v12;
	v14 =	vshll.u32 v14, $0x4  }
0x239: {  	v14 =	vor.u32 v2, v14  }
0x23a: {  	v12 =	vmul.f32 v12, v22;
	_ =	sdelay $0x1  }
0x23b: {  	v12 =	vsub.f32 v12, v13;
	_ =	sdelay $0x1  }
0x23c: {  	[tilespmem:v14+s20+$0x0] =	vst.idx.add.f32.msk $0xffff, v12  }
0x23d: {  	[tilespmem:v14+s21+$0x0] =	vst.idx.add.f32.msk $0xffff, v1  }
0x23e: {  	v12 =	vld [tilespmem:s4+$0x4020];
	_ =	sdelay $0x4  }
0x23f: {  	v13 =	vsub.f32 $1.000000000e+00, v12;
	v14 =	vadd.s32 $0xC0CAFB0D, v12  }
0x240: {  	v15 =	vshra.s32 v14, $0x17;
	v14 =	vand.u32 $0xFF800000, v14  }
0x241: {  	v14 =	vsub.s32 v12, v14;
	v15 =	vcvt.s32.f32 v15;
	v16 =	vadd.s32 $0xC0CAFB0D, v13  }
0x242: {  	v17 =	vadd.f32 $1.000000000e+00, v14;
	v18 =	vshra.s32 v16, $0x17;
	v16 =	vand.u32 $0xFF800000, v16  }
0x243: {  	v16 =	vsub.s32 v13, v16;
	v18 =	vcvt.s32.f32 v18  }
0x244: {  	v19 =	vadd.f32 $1.000000000e+00, v16;
	(erf) = vrcp.f32 v17;
	_ =	sdelay $0x1  }
0x245: {  	(erf) = vrcp.f32 v19;
	_ =	sdelay $0x5  }
0x246: {  	v14 =	vadd.f32 $-1.000000000e+00, v14  }
0x247: {  	v17 =	vpop (erf)  }
0x248: {  	v16 =	vadd.f32 $-1.000000000e+00, v16;
	v14 =	vmul.f32 v17, v14  }
0x249: {  	v17 =	vpop (erf)  }
0x24a: {  	v19 =	vmul.f32 v14, v14;
	v16 =	vmul.f32 v17, v16;
	_ =	sdelay $0x1  }
0x24b: {  	v17 =	vmul.f32 $1.428571490e-01, v19;
	v20 =	vmul.f32 v16, v16;
	_ =	sdelay $0x1  }
0x24c: {  	v17 =	vadd.f32 $2.000000030e-01, v17;
	v21 =	vmul.f32 $1.428571490e-01, v20;
	_ =	sdelay $0x1  }
0x24d: {  	v22 =	vld [tilespmem:s4+$0xC020];
	v17 =	vmul.f32 v17, v19;
	v21 =	vadd.f32 $2.000000030e-01, v21;
	_ =	sdelay $0x1  }
0x24e: {  	v17 =	vadd.f32 $3.333333430e-01, v17;
	v21 =	vmul.f32 v21, v20;
	_ =	sdelay $0x1  }
0x24f: {  	v17 =	vmul.f32 v17, v19;
	v19 =	vadd.f32 $3.333333430e-01, v21  }
0x250: {  	v21 =	vsub.f32 v12, v22  }
0x251: {  	v14 =	vadd.f32 v14, v14;
	v17 =	vadd.f32 $1.000000000e+00, v17;
	v19 =	vmul.f32 v19, v20  }
0x252: {  	v15 =	vmul.f32 $6.931471820e-01, v15;
	v16 =	vadd.f32 v16, v16;
	v20 =	vand.u32 $0x7FFFFFFF, v21  }
0x253: {  	v14 =	vmul.f32 v17, v14;
	v17 =	vadd.f32 $1.000000000e+00, v19;
	v19 =	vmul.f32 $1.000000000e+01, v20  }
0x254: {  	v18 =	vmul.f32 $6.931471820e-01, v18  }
0x255: {  	v14 =	vadd.f32 v14, v15;
	v15 =	vmul.f32 v17, v16;
	v16 =	vtrunc.f32 v19  }
0x256: {  	v16 =	vcvt.f32.s32 v16  }
0x257: {  	v15 =	vadd.f32 v15, v18  }
0x258: {  	vm0 =	vgt.f32 v12, $0.0e+00;
	vm1 =	vgt.f32 v13, $0.0e+00;
	vm2 =	vlt.s32 v16, $0x9  }
0x259: {  	v12 =	vnsel vm0, $0xC2C80000, v14;
	v13 =	vnsel vm1, $0xC2C80000, v15;
	v14 =	vnsel vm2, $0x9, v16  }
0x25a: {  	v12 =	vsub.f32 v13, v12;
	v14 =	vshll.u32 v14, $0x4  }
0x25b: {  	v14 =	vor.u32 v2, v14  }
0x25c: {  	v12 =	vmul.f32 v12, v22;
	_ =	sdelay $0x1  }
0x25d: {  	v12 =	vsub.f32 v12, v13;
	_ =	sdelay $0x1  }
0x25e: {  	[tilespmem:v14+s20+$0x0] =	vst.idx.add.f32.msk $0xffff, v12  }
0x25f: {  	[tilespmem:v14+s21+$0x0] =	vst.idx.add.f32.msk $0xffff, v1  }
0x260: {  	v12 =	vld [tilespmem:s4+$0x4030]  }
0x261: {  	v13 =	vld [tilespmem:s4+$0xC030];
	_ =	sdelay $0x3  }
0x262: {  	v14 =	vsub.f32 $1.000000000e+00, v12;
	v15 =	vadd.s32 $0xC0CAFB0D, v12  }
0x263: {  	v16 =	vshra.s32 v15, $0x17;
	v15 =	vand.u32 $0xFF800000, v15;
	v17 =	vsub.f32 v12, v13  }
0x264: {  	v15 =	vsub.s32 v12, v15;
	v16 =	vcvt.s32.f32 v16;
	v18 =	vadd.s32 $0xC0CAFB0D, v14  }
0x265: {  	v19 =	vadd.f32 $1.000000000e+00, v15;
	v20 =	vshra.s32 v18, $0x17;
	v18 =	vand.u32 $0xFF800000, v18  }
0x266: {  	v17 =	vand.u32 $0x7FFFFFFF, v17;
	v18 =	vsub.s32 v14, v18;
	v20 =	vcvt.s32.f32 v20  }
0x267: {  	v17 =	vmul.f32 $1.000000000e+01, v17;
	v21 =	vadd.f32 $1.000000000e+00, v18;
	(erf) = vrcp.f32 v19;
	_ =	sdelay $0x1  }
0x268: {  	v17 =	vtrunc.f32 v17;
	(erf) = vrcp.f32 v21  }
0x269: {  	v17 =	vcvt.f32.s32 v17;
	_ =	sdelay $0x1  }
0x26a: {  	vm0 =	vlt.s32 v17, $0x9  }
0x26b: {  	v17 =	vnsel vm0, $0x9, v17  }
0x26c: {  	v17 =	vshll.u32 v17, $0x4  }
0x26d: {  	v15 =	vadd.f32 $-1.000000000e+00, v15  }
0x26e: {  	v19 =	vpop (erf)  }
0x26f: {  	v18 =	vadd.f32 $-1.000000000e+00, v18;
	v15 =	vmul.f32 v19, v15  }
0x270: {  	v19 =	vpop (erf)  }
0x271: {  	v21 =	vmul.f32 v15, v15;
	v18 =	vmul.f32 v19, v18;
	_ =	sdelay $0x1  }
0x272: {  	v19 =	vmul.f32 $1.428571490e-01, v21;
	v22 =	vmul.f32 v18, v18;
	_ =	sdelay $0x1  }
0x273: {  	v19 =	vadd.f32 $2.000000030e-01, v19;
	v23 =	vmul.f32 $1.428571490e-01, v22;
	_ =	sdelay $0x1  }
0x274: {  	v19 =	vmul.f32 v19, v21;
	v23 =	vadd.f32 $2.000000030e-01, v23;
	_ =	sdelay $0x1  }
0x275: {  	v19 =	vadd.f32 $3.333333430e-01, v19;
	v23 =	vmul.f32 v23, v22;
	_ =	sdelay $0x1  }
0x276: {  	v19 =	vmul.f32 v19, v21;
	v21 =	vadd.f32 $3.333333430e-01, v23;
	_ =	sdelay $0x1  }
0x277: {  	v15 =	vadd.f32 v15, v15;
	v19 =	vadd.f32 $1.000000000e+00, v19;
	v21 =	vmul.f32 v21, v22  }
0x278: {  	v16 =	vmul.f32 $6.931471820e-01, v16  }
0x279: {  	v18 =	vadd.f32 v18, v18;
	v15 =	vmul.f32 v19, v15;
	v19 =	vadd.f32 $1.000000000e+00, v21;
	_ =	sdelay $0x1  }
0x27a: {  	v15 =	vadd.f32 v15, v16;
	v16 =	vmul.f32 $6.931471820e-01, v20;
	v18 =	vmul.f32 v19, v18;
	_ =	sdelay $0x1  }
0x27b: {  	v16 =	vadd.f32 v18, v16  }
0x27c: {  	vm1 =	vgt.f32 v14, $0.0e+00;
	vm0 =	vgt.f32 v12, $0.0e+00  }
0x27d: {  	v12 =	vnsel vm0, $0xC2C80000, v15;
	v14 =	vnsel vm1, $0xC2C80000, v16  }
0x27e: {  	v15 =	vsub.f32 v14, v12  }
0x27f: {  	v12 =	vor.u32 v2, v17  }
.Ltmp1:
0x280: {  	v13 =	vmul.f32 v15, v13;
	(pc) =	sbr.rel @p0 .LBB2_5-.Ltmp1, $3  }
0x281: {  	_ = 	snop  }
0x282: {  	v13 =	vsub.f32 v13, v14;
	_ =	sdelay $0x1  }
0x283: {  	s30 =	sadd.s32 $0x100, s30;
	[tilespmem:v12+s20+$0x0] =	vst.idx.add.f32.msk $0xffff, v13  }
0x284: {  	_ =	sdelay $0x3  }
0x285: {  	s4 =	sshra.s32 s30, $0x2;
	[tilespmem:v12+s21+$0x0] =	vst.idx.add.f32.msk $0xffff, v1  }
0x286: {  	v12 =	vld [tilespmem:s4+$0x4000];
	_ =	sdelay $0x4  }
0x287: {  	v13 =	vsub.f32 $1.000000000e+00, v12  }
0x288: {  	v14 =	vadd.s32 $0xC0CAFB0D, v12  }
0x289: {  	v15 =	vand.u32 $0xFF800000, v14;
	v16 =	vadd.s32 $0xC0CAFB0D, v13  }
0x28a: {  	v15 =	vsub.s32 v12, v15;
	v18 =	vand.u32 $0xFF800000, v16  }
0x28b: {  	v17 =	vadd.f32 $1.000000000e+00, v15;
	v18 =	vsub.s32 v13, v18  }
0x28c: {  	v19 =	vadd.f32 $1.000000000e+00, v18  }
0x28d: {  	(erf) = vrcp.f32 v17  }
0x28e: {  	(erf) = vrcp.f32 v19;
	_ =	sdelay $0x6  }
0x28f: {  	v15 =	vadd.f32 $-1.000000000e+00, v15  }
0x290: {  	v37 =	vadd.f32 $-1.000000000e+00, v18;
	v17 =	vpop (erf)  }
0x291: {  	v15 =	vmul.f32 v17, v15;
	v38 =	vpop (erf)  }
0x292: {  	v17 =	vmul.f32 v38, v37  }
0x293: {  	v39 =	vmul.f32 v15, v15  }
0x294: {  	v20 =	vmul.f32 v17, v17  }
0x295: {  	v40 =	vmul.f32 $1.428571490e-01, v39  }
0x296: {  	v21 =	vmul.f32 $1.428571490e-01, v20  }
0x297: {  	v22 =	vld [tilespmem:s4+$0xC000];
	v18 =	vadd.f32 $2.000000030e-01, v40  }
0x298: {  	v21 =	vadd.f32 $2.000000030e-01, v21  }
0x299: {  	v18 =	vmul.f32 v18, v39  }
0x29a: {  	v21 =	vmul.f32 v21, v20  }
0x29b: {  	v18 =	vadd.f32 $3.333333430e-01, v18  }
0x29c: {  	v42 =	vsub.f32 v12, v22;
	v14 =	vshra.s32 v14, $0x17;
	v41 =	vadd.f32 $3.333333430e-01, v21  }
0x29d: {  	v14 =	vcvt.s32.f32 v14;
	v16 =	vshra.s32 v16, $0x17;
	v18 =	vmul.f32 v18, v39  }
0x29e: {  	v43 =	vand.u32 $0x7FFFFFFF, v42;
	v16 =	vcvt.s32.f32 v16;
	v19 =	vmul.f32 v41, v20  }
0x29f: {  	v14 =	vmul.f32 $6.931471820e-01, v14;
	v15 =	vadd.f32 v15, v15;
	v18 =	vadd.f32 $1.000000000e+00, v18  }
0x2a0: {  	v17 =	vadd.f32 v17, v17;
	v20 =	vmul.f32 $1.000000000e+01, v43;
	v19 =	vadd.f32 $1.000000000e+00, v19  }
0x2a1: {  	v16 =	vmul.f32 $6.931471820e-01, v16;
	v15 =	vmul.f32 v18, v15  }
0x2a2: {  	v44 =	vtrunc.f32 v20;
	v17 =	vmul.f32 v19, v17  }
0x2a3: {  	v18 =	vcvt.f32.s32 v44  }
0x2a4: {  	v14 =	vadd.f32 v15, v14;
	v45 =	vadd.f32 v17, v16  }
0x2a5: {  	vm0 =	vgt.f32 v12, $0.0e+00;
	vm1 =	vgt.f32 v13, $0.0e+00;
	vm2 =	vlt.s32 v18, $0x9  }
0x2a6: {  	v12 =	vnsel vm0, $0xC2C80000, v14;
	v46 =	vnsel vm2, $0x9, v18;
	v13 =	vnsel vm1, $0xC2C80000, v45  }
0x2a7: {  	v14 =	vshll.u32 v46, $0x4;
	v12 =	vsub.f32 v13, v12  }
0x2a8: {  	v14 =	vor.u32 v2, v14  }
0x2a9: {  	v12 =	vmul.f32 v12, v22;
	_ =	sdelay $0x1  }
0x2aa: {  	v12 =	vsub.f32 v12, v13;
	_ =	sdelay $0x1  }
0x2ab: {  	[tilespmem:v14+s20+$0x0] =	vst.idx.add.f32.msk $0xffff, v12  }
0x2ac: {  	[tilespmem:v14+s21+$0x0] =	vst.idx.add.f32.msk $0xffff, v1  }
0x2ad: {  	v12 =	vld [tilespmem:s4+$0x4010];
	_ =	sdelay $0x4  }
0x2ae: {  	v47 =	vsub.f32 $1.000000000e+00, v12  }
0x2af: {  	v48 =	vadd.s32 $0xC0CAFB0D, v12  }
0x2b0: {  	v49 =	vand.u32 $0xFF800000, v48;
	v50 =	vadd.s32 $0xC0CAFB0D, v47  }
0x2b1: {  	v15 =	vsub.s32 v12, v49;
	v52 =	vand.u32 $0xFF800000, v50  }
0x2b2: {  	v51 =	vadd.f32 $1.000000000e+00, v15;
	v18 =	vsub.s32 v47, v52  }
0x2b3: {  	v53 =	vadd.f32 $1.000000000e+00, v18  }
0x2b4: {  	(erf) = vrcp.f32 v51  }
0x2b5: {  	(erf) = vrcp.f32 v53;
	_ =	sdelay $0x7  }
0x2b6: {  	v15 =	vadd.f32 $-1.000000000e+00, v15;
	v54 =	vadd.f32 $-1.000000000e+00, v18;
	v17 =	vpop (erf)  }
0x2b7: {  	v55 =	vpop (erf)  }
0x2b8: {  	v15 =	vmul.f32 v17, v15;
	v17 =	vmul.f32 v55, v54;
	_ =	sdelay $0x1  }
0x2b9: {  	v56 =	vmul.f32 v15, v15;
	v58 =	vmul.f32 v17, v17  }
0x2ba: {  	v60 =	vld [tilespmem:s4+$0xC010]  }
0x2bb: {  	v57 =	vmul.f32 $1.428571490e-01, v56;
	v59 =	vmul.f32 $1.428571490e-01, v58;
	_ =	sdelay $0x1  }
0x2bc: {  	v18 =	vadd.f32 $2.000000030e-01, v57;
	v21 =	vadd.f32 $2.000000030e-01, v59;
	_ =	sdelay $0x1  }
0x2bd: {  	v62 =	vsub.f32 v12, v60;
	v18 =	vmul.f32 v18, v56;
	v21 =	vmul.f32 v21, v58  }
0x2be: {  	v14 =	vshra.s32 v48, $0x17  }
0x2bf: {  	v63 =	vand.u32 $0x7FFFFFFF, v62;
	v18 =	vadd.f32 $3.333333430e-01, v18;
	v61 =	vadd.f32 $3.333333430e-01, v21  }
0x2c0: {  	v14 =	vcvt.s32.f32 v14;
	v20 =	vmul.f32 $1.000000000e+01, v63  }
0x2c1: {  	v16 =	vshra.s32 v50, $0x17;
	v18 =	vmul.f32 v18, v56;
	v19 =	vmul.f32 v61, v58  }
0x2c2: {  	v16 =	vcvt.s32.f32 v16;
	v15 =	vadd.f32 v15, v15;
	v17 =	vadd.f32 v17, v17  }
0x2c3: {  	v14 =	vmul.f32 $6.931471820e-01, v14;
	v18 =	vadd.f32 $1.000000000e+00, v18;
	v19 =	vadd.f32 $1.000000000e+00, v19  }
0x2c4: {  	v16 =	vmul.f32 $6.931471820e-01, v16;
	v21 =	vtrunc.f32 v20  }
0x2c5: {  	v15 =	vmul.f32 v18, v15;
	v17 =	vmul.f32 v19, v17  }
0x2c6: {  	v18 =	vcvt.f32.s32 v21  }
0x2c7: {  	v14 =	vadd.f32 v15, v14;
	v23 =	vadd.f32 v17, v16  }
0x2c8: {  	vm7 =	vgt.f32 v12, $0.0e+00;
	vm8 =	vgt.f32 v47, $0.0e+00;
	vm9 =	vlt.s32 v18, $0x9  }
0x2c9: {  	v24 =	vnsel vm9, $0x9, v18;
	v12 =	vnsel vm7, $0xC2C80000, v14;
	v13 =	vnsel vm8, $0xC2C80000, v23  }
0x2ca: {  	v14 =	vshll.u32 v24, $0x4;
	v12 =	vsub.f32 v13, v12  }
0x2cb: {  	v14 =	vor.u32 v2, v14  }
0x2cc: {  	v12 =	vmul.f32 v12, v60;
	_ =	sdelay $0x1  }
0x2cd: {  	v12 =	vsub.f32 v12, v13;
	_ =	sdelay $0x1  }
0x2ce: {  	[tilespmem:v14+s20+$0x0] =	vst.idx.add.f32.msk $0xffff, v12  }
0x2cf: {  	[tilespmem:v14+s21+$0x0] =	vst.idx.add.f32.msk $0xffff, v1  }
0x2d0: {  	v12 =	vld [tilespmem:s4+$0x4020];
	_ =	sdelay $0x4  }
0x2d1: {  	v25 =	vsub.f32 $1.000000000e+00, v12  }
0x2d2: {  	v26 =	vadd.s32 $0xC0CAFB0D, v12  }
0x2d3: {  	v27 =	vand.u32 $0xFF800000, v26;
	v28 =	vadd.s32 $0xC0CAFB0D, v25  }
0x2d4: {  	v15 =	vsub.s32 v12, v27;
	v30 =	vand.u32 $0xFF800000, v28  }
0x2d5: {  	v29 =	vadd.f32 $1.000000000e+00, v15;
	v18 =	vsub.s32 v25, v30  }
0x2d6: {  	v31 =	vadd.f32 $1.000000000e+00, v18  }
0x2d7: {  	(erf) = vrcp.f32 v29  }
0x2d8: {  	(erf) = vrcp.f32 v31;
	_ =	sdelay $0x7  }
0x2d9: {  	v15 =	vadd.f32 $-1.000000000e+00, v15;
	v32 =	vadd.f32 $-1.000000000e+00, v18;
	v17 =	vpop (erf)  }
0x2da: {  	v33 =	vpop (erf)  }
0x2db: {  	v15 =	vmul.f32 v17, v15;
	v17 =	vmul.f32 v33, v32;
	_ =	sdelay $0x1  }
0x2dc: {  	v34 =	vmul.f32 v15, v15;
	v36 =	vmul.f32 v17, v17  }
0x2dd: {  	v38 =	vld [tilespmem:s4+$0xC020]  }
0x2de: {  	v35 =	vmul.f32 $1.428571490e-01, v34;
	v37 =	vmul.f32 $1.428571490e-01, v36;
	_ =	sdelay $0x1  }
0x2df: {  	v18 =	vadd.f32 $2.000000030e-01, v35;
	v21 =	vadd.f32 $2.000000030e-01, v37;
	_ =	sdelay $0x1  }
0x2e0: {  	v40 =	vsub.f32 v12, v38;
	v18 =	vmul.f32 v18, v34;
	v21 =	vmul.f32 v21, v36  }
0x2e1: {  	v14 =	vshra.s32 v26, $0x17  }
0x2e2: {  	v41 =	vand.u32 $0x7FFFFFFF, v40;
	v18 =	vadd.f32 $3.333333430e-01, v18;
	v39 =	vadd.f32 $3.333333430e-01, v21  }
0x2e3: {  	v14 =	vcvt.s32.f32 v14;
	v20 =	vmul.f32 $1.000000000e+01, v41  }
0x2e4: {  	v16 =	vshra.s32 v28, $0x17;
	v18 =	vmul.f32 v18, v34;
	v19 =	vmul.f32 v39, v36  }
0x2e5: {  	v16 =	vcvt.s32.f32 v16;
	v15 =	vadd.f32 v15, v15;
	v17 =	vadd.f32 v17, v17  }
0x2e6: {  	v14 =	vmul.f32 $6.931471820e-01, v14;
	v18 =	vadd.f32 $1.000000000e+00, v18;
	v19 =	vadd.f32 $1.000000000e+00, v19  }
0x2e7: {  	v42 =	vtrunc.f32 v20;
	v16 =	vmul.f32 $6.931471820e-01, v16  }
0x2e8: {  	v15 =	vmul.f32 v18, v15;
	v17 =	vmul.f32 v19, v17  }
0x2e9: {  	v18 =	vcvt.f32.s32 v42  }
0x2ea: {  	v14 =	vadd.f32 v15, v14;
	v43 =	vadd.f32 v17, v16  }
0x2eb: {  	vm10 =	vgt.f32 v12, $0.0e+00;
	vm11 =	vgt.f32 v25, $0.0e+00;
	vm12 =	vlt.s32 v18, $0x9  }
0x2ec: {  	v44 =	vnsel vm12, $0x9, v18;
	v12 =	vnsel vm10, $0xC2C80000, v14;
	v13 =	vnsel vm11, $0xC2C80000, v43  }
0x2ed: {  	v14 =	vshll.u32 v44, $0x4;
	v12 =	vsub.f32 v13, v12  }
0x2ee: {  	v14 =	vor.u32 v2, v14  }
0x2ef: {  	v12 =	vmul.f32 v12, v38;
	_ =	sdelay $0x1  }
0x2f0: {  	v12 =	vsub.f32 v12, v13;
	_ =	sdelay $0x1  }
0x2f1: {  	[tilespmem:v14+s20+$0x0] =	vst.idx.add.f32.msk $0xffff, v12  }
0x2f2: {  	[tilespmem:v14+s21+$0x0] =	vst.idx.add.f32.msk $0xffff, v1  }
0x2f3: {  	v12 =	vld [tilespmem:s4+$0x4030];
	_ =	sdelay $0x4  }
0x2f4: {  	v45 =	vsub.f32 $1.000000000e+00, v12  }
0x2f5: {  	v46 =	vadd.s32 $0xC0CAFB0D, v12  }
0x2f6: {  	v47 =	vand.u32 $0xFF800000, v46;
	v48 =	vadd.s32 $0xC0CAFB0D, v45  }
0x2f7: {  	v15 =	vsub.s32 v12, v47;
	v49 =	vand.u32 $0xFF800000, v48  }
0x2f8: {  	v50 =	vadd.f32 $1.000000000e+00, v15;
	v17 =	vsub.s32 v45, v49  }
0x2f9: {  	v51 =	vadd.f32 $1.000000000e+00, v17  }
0x2fa: {  	(erf) = vrcp.f32 v50  }
0x2fb: {  	(erf) = vrcp.f32 v51;
	_ =	sdelay $0x7  }
0x2fc: {  	v15 =	vadd.f32 $-1.000000000e+00, v15;
	v17 =	vadd.f32 $-1.000000000e+00, v17;
	v18 =	vpop (erf)  }
0x2fd: {  	v52 =	vpop (erf)  }
0x2fe: {  	v15 =	vmul.f32 v18, v15;
	v17 =	vmul.f32 v52, v17;
	_ =	sdelay $0x1  }
0x2ff: {  	v53 =	vmul.f32 v15, v15;
	v54 =	vmul.f32 v17, v17  }
0x300: {  	v56 =	vld [tilespmem:s4+$0xC030]  }
0x301: {  	v55 =	vmul.f32 $1.428571490e-01, v53;
	v57 =	vmul.f32 $1.428571490e-01, v54;
	_ =	sdelay $0x1  }
0x302: {  	v20 =	vadd.f32 $2.000000030e-01, v55;
	v22 =	vadd.f32 $2.000000030e-01, v57;
	_ =	sdelay $0x1  }
0x303: {  	v23 =	vsub.f32 v12, v56;
	v20 =	vmul.f32 v20, v53;
	v22 =	vmul.f32 v22, v54  }
0x304: {  	v14 =	vshra.s32 v46, $0x17  }
0x305: {  	v23 =	vand.u32 $0x7FFFFFFF, v23;
	v20 =	vadd.f32 $3.333333430e-01, v20;
	v22 =	vadd.f32 $3.333333430e-01, v22  }
0x306: {  	v14 =	vcvt.s32.f32 v14;
	v58 =	vmul.f32 $1.000000000e+01, v23  }
0x307: {  	v16 =	vshra.s32 v48, $0x17;
	v18 =	vmul.f32 v20, v53;
	v19 =	vmul.f32 v22, v54  }
0x308: {  	v16 =	vcvt.s32.f32 v16;
	v15 =	vadd.f32 v15, v15;
	v17 =	vadd.f32 v17, v17  }
0x309: {  	v14 =	vmul.f32 $6.931471820e-01, v14;
	v18 =	vadd.f32 $1.000000000e+00, v18;
	v19 =	vadd.f32 $1.000000000e+00, v19  }
0x30a: {  	v16 =	vmul.f32 $6.931471820e-01, v16;
	v20 =	vtrunc.f32 v58  }
0x30b: {  	v15 =	vmul.f32 v18, v15;
	v17 =	vmul.f32 v19, v17  }
0x30c: {  	v59 =	vcvt.f32.s32 v20  }
0x30d: {  	v14 =	vadd.f32 v15, v14;
	v60 =	vadd.f32 v17, v16  }
0x30e: {  	vm14 =	vgt.f32 v12, $0.0e+00;
	vm15 =	vgt.f32 v45, $0.0e+00;
	vm13 =	vlt.s32 v59, $0x9  }
0x30f: {  	v61 =	vnsel vm13, $0x9, v59;
	v62 =	vnsel vm14, $0xC2C80000, v14;
	v63 =	vnsel vm15, $0xC2C80000, v60  }
0x310: {  	v12 =	vshll.u32 v61, $0x4;
	v13 =	vsub.f32 v63, v62  }
0x311: {  	s28 =	sadd.s32 $0x1, s28;
	v12 =	vor.u32 v2, v12  }
0x312: {  	p0 =	sne.s32 s28, $0x10;
	v13 =	vmul.f32 v13, v56  }
.Ltmp2:
0x313: {  	_ = 	snop;
	(pc) =	sbr.rel @p0 .LBB2_2-.Ltmp2, $3  }
0x314: {  	v13 =	vsub.f32 v13, v63;
	_ =	sdelay $0x1  }
0x315: {  	[tilespmem:v12+s20+$0x0] =	vst.idx.add.f32.msk $0xffff, v13  }
0x316: {  	[tilespmem:v12+s21+$0x0] =	vst.idx.add.f32.msk $0xffff, v1  }
0x317: {  	_ =	sdelay $0x1  }
0x318: {  	v12 =	vld.msk [tilespmem:s13+$0x0], $0xffff  }
0x319: {  	v13 =	vld [tilespmem:$0x10000]  }
0x31a: {  	v14 =	vld.idx.msk [tilespmem:v3+s13+$0x0], $0xffff  }
0x31b: {  	v15 =	vld [tilespmem:$0x10010]  }
0x31c: {  	v16 =	vld.idx.msk [tilespmem:v4+s13+$0x0], $0xffff  }
0x31d: {  	v17 =	vld [tilespmem:$0x10020]  }
0x31e: {  	v45 =	vld.idx.msk [tilespmem:v5+s13+$0x0], $0xffff;
	v12 =	vmul.f32 v13, v12  }
0x31f: {  	v18 =	vld [tilespmem:$0x10030]  }
0x320: {  	v46 =	vld.idx.msk [tilespmem:v6+s13+$0x0], $0xffff;
	v14 =	vmul.f32 v15, v14;
	v12 =	vadd.f32 $0.0e+00, v12  }
0x321: {  	v19 =	vld [tilespmem:$0x10040]  }
0x322: {  	v48 =	vld.idx.msk [tilespmem:v7+s13+$0x0], $0xffff;
	v47 =	vmul.f32 v17, v16;
	v12 =	vadd.f32 v14, v12  }
0x323: {  	v49 =	vld [tilespmem:$0x10050]  }
0x324: {  	v50 =	vld.idx.msk [tilespmem:v8+s13+$0x0], $0xffff;
	v13 =	vmul.f32 v18, v45;
	v12 =	vadd.f32 v47, v12  }
0x325: {  	v51 =	vld [tilespmem:$0x10060]  }
0x326: {  	v53 =	vld.idx.msk [tilespmem:v9+s13+$0x0], $0xffff;
	v52 =	vmul.f32 v19, v46;
	v12 =	vadd.f32 v13, v12  }
0x327: {  	v54 =	vld [tilespmem:$0x10070]  }
0x328: {  	v56 =	vld.idx.msk [tilespmem:v10+s13+$0x0], $0xffff;
	v55 =	vmul.f32 v49, v48;
	v12 =	vadd.f32 v52, v12  }
0x329: {  	v57 =	vld [tilespmem:$0x10080]  }
0x32a: {  	v59 =	vld.idx.msk [tilespmem:v11+s13+$0x0], $0xffff;
	v58 =	vmul.f32 v51, v50;
	v12 =	vadd.f32 v55, v12  }
0x32b: {  	v60 =	vld [tilespmem:$0x10090]  }
0x32c: {  	v61 =	vmul.f32 v54, v53;
	v12 =	vadd.f32 v58, v12;
	_ =	sdelay $0x1  }
0x32d: {  	v62 =	vmul.f32 v57, v56;
	v12 =	vadd.f32 v61, v12;
	_ =	sdelay $0x1  }
0x32e: {  	v63 =	vmul.f32 v60, v59;
	v12 =	vadd.f32 v62, v12;
	_ =	sdelay $0x1  }
0x32f: {  	v12 =	vadd.f32 v63, v12;
	_ =	sdelay $0x1  }
0x330: {  	[tilespmem:$0x10200] =	vst v12  }
0x331: {  	[hbm4b:s10+s5] =	stream.linear.scatter [tilespmem:s13], [sflag:$0x5], $0x80, $0x38;
	[tilespmem:$0x10280] =	vst v63  }
0x332: {  	s26 =	sadd.s32 $0x1, s26;
	_ =	swait.ge [sflag:s14], $0x80  }
0x333: {  	p0 =	sne.s32 s26, s12;
	[sflag:s14] =	ssyncset.done $0x0  }
.Ltmp3:
0x334: {  	[sflag:s14] =	ssyncadd.s32 $0xFFFFFF80;
	(pc) =	sbr.rel @p0 .LBB2_1-.Ltmp3, $4  }
0x335: {  	[hbm4b:s11+s24] =	stream.strided.scatter [tilespmem:s21], [sflag:$0x5], $0x100, s25, s24, $0x38;
	[tilespmem:$0x10280] =	vst v63  }
0x336: {  	_ =	swait.ge [sflag:s14], $0x100  }
0x337: {  	[sflag:s14] =	ssyncset.done $0x0  }
0x338: {  	[sflag:s14] =	ssyncadd.s32 $0xFFFFFF00  }
0x339: {  	_ =	sfence.sel $0x180000  }
0x33a: {  	[bflag:$0x0] =	sbarrier.arrive $0xFFFF  }
0x33b: {  	_ =	strace $0x90000047  }
0x33c: {  	[bflag:$0x2] =	sbarrier.arrive $0xFFFF  }
0x33d: {  	p0 =	sne.s32 s0, $0x0;
	s0 =	rddreg [dreg:$0x5]  }
0x33e: {  	s0 =	sadd.s32 @!p0 $0x100000, s0  }
0x33f: {  	[sflag:s0] =	ssyncadd.tile.s32 @!p0 $0x1;
	_ =	shalt  }
.Lfunc_end2:
_tile_overlayer_lowered:
.L_overlay_start_2:
0x340: {  	(tag) =	ssettag $0x2  }
0x341: {  	s0 =	rddreg [dreg:$0x0];
	s2 =	stileid.u32  }
0x342: {  	s1 =	rddreg [dreg:$0x1];
	p0 =	sne.s32 s2, $0x0  }
0x343: {  	s3 =	rddreg [dreg:$0x2];
	[bflag:$0x3] =	sbarrier.arrive $0xFFFF;
	s2 =	simm.s32 @!p0 $0x1C05  }
0x344: {  	[timem:s3], [sflag:s2] =	dma.local @!p0 [hbm:s0], s1  }
0x345: {  	s0 =	simm.s32 @!p0 $0x5  }
0x346: {  	_ =	swait.ge @!p0 [sflag:s0], s1  }
0x347: {  	s1 =	ssub.s32 @!p0 $0x0, s1;
	[sflag:s0] =	ssyncset.done @!p0 $0x0  }
0x348: {  	[sflag:s0] =	ssyncadd.s32 @!p0 s1  }
0x349: {  	[bflag:$0x3] =	sbarrier.arrive $0xFFFF  }
0x34a: {  	_ =	shalt  }

</sc_bundles>
